<compile_context>
chip_gen: v7x
topology: tpu7x:2x2x1
jax: 0.10.2.dev20260603
libtpu: 0.0.44.dev20260713+nightly
codegen_flags: <defaults>
</compile_context>

<pallas_src>
import functools

import jax
import jax.numpy as jnp
from jax import lax
from jax.experimental import pallas as pl
from jax.experimental.pallas import tpu as pltpu
from jax.experimental.pallas import tpu_sc as plsc

D = 64
DP = 128
K = 5
NC = 2
NS = 16
NW = NC * NS
LANES = 16
PAD = 1.0e9


def _sc_dots(v_i, v_j, neg_t, nodes_p, ctx_p):
    B = v_i.shape[0]
    PB = B // NW
    C = min(128, PB)
    NCHUNK = PB // C
    CR = C // 8

    mesh = plsc.VectorSubcoreMesh(core_axis_name="c", subcore_axis_name="s")

    @functools.partial(
        pl.kernel,
        mesh=mesh,
        out_type=jax.ShapeDtypeStruct((B // 8, 128), jnp.float32),
        scratch_types=[
            pltpu.VMEM((C,), jnp.int32),
            pltpu.VMEM((C,), jnp.int32),
            pltpu.VMEM((K * C,), jnp.int32),
            pltpu.VMEM((C, DP), jnp.float32),
            pltpu.VMEM((C, DP), jnp.float32),
            pltpu.VMEM((K * C, DP), jnp.float32),
            pltpu.VMEM((CR, 128), jnp.float32),
            pltpu.SemaphoreType.DMA,
        ],
    )
    def body(vi_hbm, vj_hbm, negt_hbm, nodes_hbm, ctx_hbm, out_hbm,
             vi_idx, vj_idx, neg_idx, vi_rows, vj_rows, neg_rows, dots, sem):
        wid = lax.axis_index("s") * NC + lax.axis_index("c")
        lane = lax.iota(jnp.int32, 16)
        pad_vec = jnp.where(lane < 1 + K, jnp.float32(0), jnp.float32(PAD))

        def chunk_body(ci, carry):
            base = wid * PB + ci * C
            pltpu.sync_copy(vi_hbm.at[pl.ds(base, C)], vi_idx)
            pltpu.sync_copy(vj_hbm.at[pl.ds(base, C)], vj_idx)
            for k in range(K):
                pltpu.sync_copy(negt_hbm.at[pl.ds(k * B + base, C)],
                                neg_idx.at[pl.ds(k * C, C)])
            copies = [
                pltpu.async_copy(nodes_hbm.at[vi_idx], vi_rows, sem),
                pltpu.async_copy(ctx_hbm.at[vj_idx], vj_rows, sem),
            ]
            for k in range(K):
                copies.append(
                    pltpu.async_copy(ctx_hbm.at[neg_idx.at[pl.ds(k * C, C)]],
                                     neg_rows.at[pl.ds(k * C, C)], sem))
            for c in copies:
                c.wait()

            def lane_sum(x):
                for sh in (8, 4, 2, 1):
                    x = x + x.at[lane ^ sh].get(mode="promise_in_bounds")
                return x

            def elem_body(i, carry2):
                vi_g = [vi_rows[i, pl.ds(g * LANES, LANES)] for g in range(D // LANES)]
                acc = vi_g[0] * vj_rows[i, pl.ds(0, LANES)]
                for g in range(1, D // LANES):
                    acc += vi_g[g] * vj_rows[i, pl.ds(g * LANES, LANES)]
                dvec = jnp.where(lane == 0, lane_sum(acc), pad_vec)
                for k in range(K):
                    nacc = vi_g[0] * neg_rows[k * C + i, pl.ds(0, LANES)]
                    for g in range(1, D // LANES):
                        nacc += vi_g[g] * neg_rows[k * C + i, pl.ds(g * LANES, LANES)]
                    dvec = jnp.where(lane == k + 1, -lane_sum(nacc), dvec)
                dots[i // 8, pl.ds((i % 8) * LANES, LANES)] = dvec
                return carry2

            lax.fori_loop(0, C, elem_body, 0)
            pltpu.sync_copy(
                dots, out_hbm.at[pl.ds(pl.multiple_of(base // 8, 8), CR)])
            return carry

        lax.fori_loop(0, NCHUNK, chunk_body, 0)

    return body(v_i, v_j, neg_t, nodes_p, ctx_p)


def _tc_loss(dots2d, batch):

    def body(x_ref, o_ref):
        x = x_ref[...]
        ls = jnp.minimum(x, 0.0) - jnp.log1p(jnp.exp(-jnp.abs(x)))
        o_ref[0, 0] = -jnp.sum(ls) / batch

    return pl.pallas_call(
        body,
        out_shape=jax.ShapeDtypeStruct((1, 1), jnp.float32),
        out_specs=pl.BlockSpec(memory_space=pltpu.SMEM),
    )(dots2d)


def kernel(v_i, v_j, negsamples, device, nodes_embeddings, contextnodes_embeddings):
    B = v_i.shape[0]
    vi = v_i.astype(jnp.int32)
    vj = v_j.astype(jnp.int32)
    neg_t = negsamples.astype(jnp.int32).T.reshape(-1)
    nodes_p = jnp.pad(nodes_embeddings, ((0, 0), (0, DP - D)))
    ctx_p = jnp.pad(contextnodes_embeddings, ((0, 0), (0, DP - D)))
    dots = _sc_dots(vi, vj, neg_t, nodes_p, ctx_p)
    loss = _tc_loss(dots, B)
    return loss[0, 0]

# --- scband reference (transcript-rebuilt; emitter-appended) ---
"""Pipeline reference for scband-linemodel-20624432956097 (READ-ONLY COPY).

The authoritative reference and input builder live on the scoring server;
editing this copy changes nothing except your own understanding.
"""

import jax, jax.numpy as jnp
import numpy as np

SIZE = 1000000
EMBED_DIM = 64
BATCH = 16384
NEG = 5

def setup_inputs(seed: int = 0) -> dict:
    key = jax.random.key(seed)
    k1, k2, k3, k4, k5 = jax.random.split(key, 5)
    v_i = jax.random.randint(k1, (BATCH,), 0, SIZE, dtype=jnp.int64 if jax.config.jax_enable_x64 else jnp.int32)
    v_j = jax.random.randint(k2, (BATCH,), 0, SIZE, dtype=jnp.int64 if jax.config.jax_enable_x64 else jnp.int32)
    negsamples = jax.random.randint(k3, (BATCH, NEG), 0, SIZE, dtype=jnp.int64 if jax.config.jax_enable_x64 else jnp.int32)
    # learned parameters, initialized like the torch module: uniform(-0.5, 0.5) / embed_dim
    nodes_embeddings = (jax.random.uniform(k4, (SIZE, EMBED_DIM), dtype=jnp.float32, minval=-0.5, maxval=0.5) / EMBED_DIM)
    contextnodes_embeddings = (jax.random.uniform(k5, (SIZE, EMBED_DIM), dtype=jnp.float32, minval=-0.5, maxval=0.5) / EMBED_DIM)
    return {
        "v_i": v_i,
        "v_j": v_j,
        "negsamples": negsamples,
        "device": 0,
        "nodes_embeddings": nodes_embeddings,
        "contextnodes_embeddings": contextnodes_embeddings,
    }

def reference(v_i, v_j, negsamples, device, nodes_embeddings, contextnodes_embeddings):
    # order == 2 path of LINEModel.forward
    vi = jnp.take(nodes_embeddings, v_i, axis=0)                 # [B, D] gather
    vj = jnp.take(contextnodes_embeddings, v_j, axis=0)          # [B, D] gather
    negativenodes = -jnp.take(contextnodes_embeddings, negsamples, axis=0)  # [B, K, D] gather
    mulpositivebatch = vi * vj
    positivebatch = jax.nn.log_sigmoid(jnp.sum(mulpositivebatch, axis=1))   # [B]
    mulnegativebatch = vi[:, None, :] * negativenodes                        # [B, K, D]
    negativebatch = jnp.sum(jax.nn.log_sigmoid(jnp.sum(mulnegativebatch, axis=2)), axis=1)  # [B]
    loss = positivebatch + negativebatch
    return -jnp.mean(loss)

if __name__ == "__main__":
    import jax
    _d = setup_inputs()
    print(jax.jit(kernel)(*tuple(_d.values())))

</pallas_src>

<mosaic_0001>
#map = affine_map<(d0, d1) -> (0)>
#map1 = affine_map<(d0, d1) -> (0, 0)>
module attributes {stable_mosaic.version = 14 : i64} {
  func.func @body(%arg0: i32, %arg1: i32, %arg2: memref<16384xi32, #tpu.memory_space<hbm>>, %arg3: memref<16384xi32, #tpu.memory_space<hbm>>, %arg4: memref<81920xi32, #tpu.memory_space<hbm>>, %arg5: memref<1000000x128xf32, #tpu.memory_space<hbm>>, %arg6: memref<1000000x128xf32, #tpu.memory_space<hbm>>, %arg7: memref<2048x128xf32, #tpu.memory_space<hbm>>, %arg8: memref<128xi32, #tpu.memory_space<vmem>>, %arg9: memref<128xi32, #tpu.memory_space<vmem>>, %arg10: memref<640xi32, #tpu.memory_space<vmem>>, %arg11: memref<128x128xf32, #tpu.memory_space<vmem>>, %arg12: memref<128x128xf32, #tpu.memory_space<vmem>>, %arg13: memref<640x128xf32, #tpu.memory_space<vmem>>, %arg14: memref<16x128xf32, #tpu.memory_space<vmem>>, %arg15: memref<!tpu.dma_semaphore, #tpu.memory_space<semaphore_mem>>) attributes {dimension_semantics = [#tpu.dimension_semantics<core_parallel>, #tpu.dimension_semantics<subcore_parallel>], iteration_bounds = array<i64: 2, 16>, scalar_prefetch = 0 : i64, scratch_operands = 8 : i64, tpu.core_type = #tpu.core_type<sc_vector_subcore>, window_params = [{transform_indices = #map}, {transform_indices = #map}, {transform_indices = #map}, {transform_indices = #map1}, {transform_indices = #map1}, {transform_indices = #map1}]} {
    %mul3A = arith.constant 2 : i32
    %mul3A_0 = arith.muli %arg1, %mul3A : i32
    %add3A = arith.addi %mul3A_0, %arg0 : i32
    %iota3A = tpu.iota {dimensions = array<i32: 0>} : vector<16xi32>
    %lt3A = arith.constant 6 : i32
    %lt3A_1 = vector.broadcast %lt3A : i32 to vector<16xi32>
    %lt3A_2 = arith.cmpi slt, %iota3A, %lt3A_1 : vector<16xi32>
    %jit3A = arith.constant 0.000000e+00 : f32
    %jit3A_3 = arith.constant 1.000000e+09 : f32
    %broadcast_in_dim3A = vector.broadcast %jit3A : f32 to vector<16xf32>
    %broadcast_in_dim3A_4 = vector.broadcast %jit3A_3 : f32 to vector<16xf32>
    %select_n3A = arith.select %lt3A_2, %broadcast_in_dim3A, %broadcast_in_dim3A_4 : vector<16xi1>, vector<16xf32>
    %scan3A = arith.constant 0 : i32
    %scan3A_5 = arith.constant 0 : i32
    %scan3A_6 = arith.constant 4 : i32
    %scan3A_7 = arith.addi %scan3A_5, %scan3A_6 : i32
    %scan3A_8 = arith.constant 1 : i32
    scf.for %scan3A_10 = %scan3A_5 to %scan3A_7 step %scan3A_8  : i32 {
      %mul3A_11 = arith.constant 512 : i32
      %mul3A_12 = arith.muli %add3A, %mul3A_11 : i32
      %mul3A_13 = arith.constant 128 : i32
      %mul3A_14 = arith.muli %scan3A_10, %mul3A_13 : i32
      %add3A_15 = arith.addi %mul3A_12, %mul3A_14 : i32
      "tpu.region"() ({
        %run_scoped3A = tpu.sem_alloc : memref<!tpu.dma_semaphore, #tpu.memory_space<semaphore_mem>>
        %dma_start3A_140 = tpu.memref_slice %arg2[%add3A_15] : memref<16384xi32, #tpu.memory_space<hbm>> -> memref<128xi32, #tpu.memory_space<hbm>>
        %dma_start3A_141 = tpu.memref_slice %arg2[%add3A_15] : memref<16384xi32, #tpu.memory_space<hbm>> -> memref<128xi32, #tpu.memory_space<hbm>>
        tpu.enqueue_dma source(%dma_start3A_141 : memref<128xi32, #tpu.memory_space<hbm>>) target(%arg8 : memref<128xi32, #tpu.memory_space<vmem>>) target_semaphore(%run_scoped3A : memref<!tpu.dma_semaphore, #tpu.memory_space<semaphore_mem>>)
        %dma_wait3A_142 = tpu.memref_slice %arg2[%add3A_15] : memref<16384xi32, #tpu.memory_space<hbm>> -> memref<128xi32, #tpu.memory_space<hbm>>
        %dma_wait3A_143 = tpu.memref_slice %arg2[%add3A_15] : memref<16384xi32, #tpu.memory_space<hbm>> -> memref<128xi32, #tpu.memory_space<hbm>>
        tpu.wait_dma2 semaphore(%run_scoped3A : memref<!tpu.dma_semaphore, #tpu.memory_space<semaphore_mem>>) src(%dma_wait3A_143 : memref<128xi32, #tpu.memory_space<hbm>>) dst(%arg8 : memref<128xi32, #tpu.memory_space<vmem>>)
        tpu.yield
      }) : () -> ()
      "tpu.region"() ({
        %run_scoped3A = tpu.sem_alloc : memref<!tpu.dma_semaphore, #tpu.memory_space<semaphore_mem>>
        %dma_start3A_140 = tpu.memref_slice %arg3[%add3A_15] : memref<16384xi32, #tpu.memory_space<hbm>> -> memref<128xi32, #tpu.memory_space<hbm>>
        %dma_start3A_141 = tpu.memref_slice %arg3[%add3A_15] : memref<16384xi32, #tpu.memory_space<hbm>> -> memref<128xi32, #tpu.memory_space<hbm>>
        tpu.enqueue_dma source(%dma_start3A_141 : memref<128xi32, #tpu.memory_space<hbm>>) target(%arg9 : memref<128xi32, #tpu.memory_space<vmem>>) target_semaphore(%run_scoped3A : memref<!tpu.dma_semaphore, #tpu.memory_space<semaphore_mem>>)
        %dma_wait3A_142 = tpu.memref_slice %arg3[%add3A_15] : memref<16384xi32, #tpu.memory_space<hbm>> -> memref<128xi32, #tpu.memory_space<hbm>>
        %dma_wait3A_143 = tpu.memref_slice %arg3[%add3A_15] : memref<16384xi32, #tpu.memory_space<hbm>> -> memref<128xi32, #tpu.memory_space<hbm>>
        tpu.wait_dma2 semaphore(%run_scoped3A : memref<!tpu.dma_semaphore, #tpu.memory_space<semaphore_mem>>) src(%dma_wait3A_143 : memref<128xi32, #tpu.memory_space<hbm>>) dst(%arg9 : memref<128xi32, #tpu.memory_space<vmem>>)
        tpu.yield
      }) : () -> ()
      %add3A_16 = arith.constant 0 : i32
      %add3A_17 = arith.addi %add3A_16, %add3A_15 : i32
      "tpu.region"() ({
        %run_scoped3A = tpu.sem_alloc : memref<!tpu.dma_semaphore, #tpu.memory_space<semaphore_mem>>
        %dma_start3A_140 = arith.constant 0 : i32
        %dma_start3A_141 = tpu.memref_slice %arg10[%dma_start3A_140] : memref<640xi32, #tpu.memory_space<vmem>> -> memref<128xi32, #tpu.memory_space<vmem>>
        %dma_start3A_142 = tpu.memref_slice %arg4[%add3A_17] : memref<81920xi32, #tpu.memory_space<hbm>> -> memref<128xi32, #tpu.memory_space<hbm>>
        %dma_start3A_143 = arith.constant 0 : i32
        %dma_start3A_144 = tpu.memref_slice %arg10[%dma_start3A_143] : memref<640xi32, #tpu.memory_space<vmem>> -> memref<128xi32, #tpu.memory_space<vmem>>
        %dma_start3A_145 = tpu.memref_slice %arg4[%add3A_17] : memref<81920xi32, #tpu.memory_space<hbm>> -> memref<128xi32, #tpu.memory_space<hbm>>
        tpu.enqueue_dma source(%dma_start3A_145 : memref<128xi32, #tpu.memory_space<hbm>>) target(%dma_start3A_144 : memref<128xi32, #tpu.memory_space<vmem>>) target_semaphore(%run_scoped3A : memref<!tpu.dma_semaphore, #tpu.memory_space<semaphore_mem>>)
        %dma_wait3A_146 = arith.constant 0 : i32
        %dma_wait3A_147 = tpu.memref_slice %arg10[%dma_wait3A_146] : memref<640xi32, #tpu.memory_space<vmem>> -> memref<128xi32, #tpu.memory_space<vmem>>
        %dma_wait3A_148 = tpu.memref_slice %arg4[%add3A_17] : memref<81920xi32, #tpu.memory_space<hbm>> -> memref<128xi32, #tpu.memory_space<hbm>>
        %dma_wait3A_149 = arith.constant 0 : i32
        %dma_wait3A_150 = tpu.memref_slice %arg10[%dma_wait3A_149] : memref<640xi32, #tpu.memory_space<vmem>> -> memref<128xi32, #tpu.memory_space<vmem>>
        %dma_wait3A_151 = tpu.memref_slice %arg4[%add3A_17] : memref<81920xi32, #tpu.memory_space<hbm>> -> memref<128xi32, #tpu.memory_space<hbm>>
        tpu.wait_dma2 semaphore(%run_scoped3A : memref<!tpu.dma_semaphore, #tpu.memory_space<semaphore_mem>>) src(%dma_wait3A_151 : memref<128xi32, #tpu.memory_space<hbm>>) dst(%dma_wait3A_150 : memref<128xi32, #tpu.memory_space<vmem>>)
        tpu.yield
      }) : () -> ()
      %add3A_18 = arith.constant 16384 : i32
      %add3A_19 = arith.addi %add3A_18, %add3A_15 : i32
      "tpu.region"() ({
        %run_scoped3A = tpu.sem_alloc : memref<!tpu.dma_semaphore, #tpu.memory_space<semaphore_mem>>
        %dma_start3A_140 = arith.constant 128 : i32
        %dma_start3A_141 = tpu.memref_slice %arg10[%dma_start3A_140] : memref<640xi32, #tpu.memory_space<vmem>> -> memref<128xi32, #tpu.memory_space<vmem>>
        %dma_start3A_142 = tpu.memref_slice %arg4[%add3A_19] : memref<81920xi32, #tpu.memory_space<hbm>> -> memref<128xi32, #tpu.memory_space<hbm>>
        %dma_start3A_143 = arith.constant 128 : i32
        %dma_start3A_144 = tpu.memref_slice %arg10[%dma_start3A_143] : memref<640xi32, #tpu.memory_space<vmem>> -> memref<128xi32, #tpu.memory_space<vmem>>
        %dma_start3A_145 = tpu.memref_slice %arg4[%add3A_19] : memref<81920xi32, #tpu.memory_space<hbm>> -> memref<128xi32, #tpu.memory_space<hbm>>
        tpu.enqueue_dma source(%dma_start3A_145 : memref<128xi32, #tpu.memory_space<hbm>>) target(%dma_start3A_144 : memref<128xi32, #tpu.memory_space<vmem>>) target_semaphore(%run_scoped3A : memref<!tpu.dma_semaphore, #tpu.memory_space<semaphore_mem>>)
        %dma_wait3A_146 = arith.constant 128 : i32
        %dma_wait3A_147 = tpu.memref_slice %arg10[%dma_wait3A_146] : memref<640xi32, #tpu.memory_space<vmem>> -> memref<128xi32, #tpu.memory_space<vmem>>
        %dma_wait3A_148 = tpu.memref_slice %arg4[%add3A_19] : memref<81920xi32, #tpu.memory_space<hbm>> -> memref<128xi32, #tpu.memory_space<hbm>>
        %dma_wait3A_149 = arith.constant 128 : i32
        %dma_wait3A_150 = tpu.memref_slice %arg10[%dma_wait3A_149] : memref<640xi32, #tpu.memory_space<vmem>> -> memref<128xi32, #tpu.memory_space<vmem>>
        %dma_wait3A_151 = tpu.memref_slice %arg4[%add3A_19] : memref<81920xi32, #tpu.memory_space<hbm>> -> memref<128xi32, #tpu.memory_space<hbm>>
        tpu.wait_dma2 semaphore(%run_scoped3A : memref<!tpu.dma_semaphore, #tpu.memory_space<semaphore_mem>>) src(%dma_wait3A_151 : memref<128xi32, #tpu.memory_space<hbm>>) dst(%dma_wait3A_150 : memref<128xi32, #tpu.memory_space<vmem>>)
        tpu.yield
      }) : () -> ()
      %add3A_20 = arith.constant 32768 : i32
      %add3A_21 = arith.addi %add3A_20, %add3A_15 : i32
      "tpu.region"() ({
        %run_scoped3A = tpu.sem_alloc : memref<!tpu.dma_semaphore, #tpu.memory_space<semaphore_mem>>
        %dma_start3A_140 = arith.constant 256 : i32
        %dma_start3A_141 = tpu.memref_slice %arg10[%dma_start3A_140] : memref<640xi32, #tpu.memory_space<vmem>> -> memref<128xi32, #tpu.memory_space<vmem>>
        %dma_start3A_142 = tpu.memref_slice %arg4[%add3A_21] : memref<81920xi32, #tpu.memory_space<hbm>> -> memref<128xi32, #tpu.memory_space<hbm>>
        %dma_start3A_143 = arith.constant 256 : i32
        %dma_start3A_144 = tpu.memref_slice %arg10[%dma_start3A_143] : memref<640xi32, #tpu.memory_space<vmem>> -> memref<128xi32, #tpu.memory_space<vmem>>
        %dma_start3A_145 = tpu.memref_slice %arg4[%add3A_21] : memref<81920xi32, #tpu.memory_space<hbm>> -> memref<128xi32, #tpu.memory_space<hbm>>
        tpu.enqueue_dma source(%dma_start3A_145 : memref<128xi32, #tpu.memory_space<hbm>>) target(%dma_start3A_144 : memref<128xi32, #tpu.memory_space<vmem>>) target_semaphore(%run_scoped3A : memref<!tpu.dma_semaphore, #tpu.memory_space<semaphore_mem>>)
        %dma_wait3A_146 = arith.constant 256 : i32
        %dma_wait3A_147 = tpu.memref_slice %arg10[%dma_wait3A_146] : memref<640xi32, #tpu.memory_space<vmem>> -> memref<128xi32, #tpu.memory_space<vmem>>
        %dma_wait3A_148 = tpu.memref_slice %arg4[%add3A_21] : memref<81920xi32, #tpu.memory_space<hbm>> -> memref<128xi32, #tpu.memory_space<hbm>>
        %dma_wait3A_149 = arith.constant 256 : i32
        %dma_wait3A_150 = tpu.memref_slice %arg10[%dma_wait3A_149] : memref<640xi32, #tpu.memory_space<vmem>> -> memref<128xi32, #tpu.memory_space<vmem>>
        %dma_wait3A_151 = tpu.memref_slice %arg4[%add3A_21] : memref<81920xi32, #tpu.memory_space<hbm>> -> memref<128xi32, #tpu.memory_space<hbm>>
        tpu.wait_dma2 semaphore(%run_scoped3A : memref<!tpu.dma_semaphore, #tpu.memory_space<semaphore_mem>>) src(%dma_wait3A_151 : memref<128xi32, #tpu.memory_space<hbm>>) dst(%dma_wait3A_150 : memref<128xi32, #tpu.memory_space<vmem>>)
        tpu.yield
      }) : () -> ()
      %add3A_22 = arith.constant 49152 : i32
      %add3A_23 = arith.addi %add3A_22, %add3A_15 : i32
      "tpu.region"() ({
        %run_scoped3A = tpu.sem_alloc : memref<!tpu.dma_semaphore, #tpu.memory_space<semaphore_mem>>
        %dma_start3A_140 = arith.constant 384 : i32
        %dma_start3A_141 = tpu.memref_slice %arg10[%dma_start3A_140] : memref<640xi32, #tpu.memory_space<vmem>> -> memref<128xi32, #tpu.memory_space<vmem>>
        %dma_start3A_142 = tpu.memref_slice %arg4[%add3A_23] : memref<81920xi32, #tpu.memory_space<hbm>> -> memref<128xi32, #tpu.memory_space<hbm>>
        %dma_start3A_143 = arith.constant 384 : i32
        %dma_start3A_144 = tpu.memref_slice %arg10[%dma_start3A_143] : memref<640xi32, #tpu.memory_space<vmem>> -> memref<128xi32, #tpu.memory_space<vmem>>
        %dma_start3A_145 = tpu.memref_slice %arg4[%add3A_23] : memref<81920xi32, #tpu.memory_space<hbm>> -> memref<128xi32, #tpu.memory_space<hbm>>
        tpu.enqueue_dma source(%dma_start3A_145 : memref<128xi32, #tpu.memory_space<hbm>>) target(%dma_start3A_144 : memref<128xi32, #tpu.memory_space<vmem>>) target_semaphore(%run_scoped3A : memref<!tpu.dma_semaphore, #tpu.memory_space<semaphore_mem>>)
        %dma_wait3A_146 = arith.constant 384 : i32
        %dma_wait3A_147 = tpu.memref_slice %arg10[%dma_wait3A_146] : memref<640xi32, #tpu.memory_space<vmem>> -> memref<128xi32, #tpu.memory_space<vmem>>
        %dma_wait3A_148 = tpu.memref_slice %arg4[%add3A_23] : memref<81920xi32, #tpu.memory_space<hbm>> -> memref<128xi32, #tpu.memory_space<hbm>>
        %dma_wait3A_149 = arith.constant 384 : i32
        %dma_wait3A_150 = tpu.memref_slice %arg10[%dma_wait3A_149] : memref<640xi32, #tpu.memory_space<vmem>> -> memref<128xi32, #tpu.memory_space<vmem>>
        %dma_wait3A_151 = tpu.memref_slice %arg4[%add3A_23] : memref<81920xi32, #tpu.memory_space<hbm>> -> memref<128xi32, #tpu.memory_space<hbm>>
        tpu.wait_dma2 semaphore(%run_scoped3A : memref<!tpu.dma_semaphore, #tpu.memory_space<semaphore_mem>>) src(%dma_wait3A_151 : memref<128xi32, #tpu.memory_space<hbm>>) dst(%dma_wait3A_150 : memref<128xi32, #tpu.memory_space<vmem>>)
        tpu.yield
      }) : () -> ()
      %add3A_24 = arith.constant 65536 : i32
      %add3A_25 = arith.addi %add3A_24, %add3A_15 : i32
      "tpu.region"() ({
        %run_scoped3A = tpu.sem_alloc : memref<!tpu.dma_semaphore, #tpu.memory_space<semaphore_mem>>
        %dma_start3A_140 = arith.constant 512 : i32
        %dma_start3A_141 = tpu.memref_slice %arg10[%dma_start3A_140] : memref<640xi32, #tpu.memory_space<vmem>> -> memref<128xi32, #tpu.memory_space<vmem>>
        %dma_start3A_142 = tpu.memref_slice %arg4[%add3A_25] : memref<81920xi32, #tpu.memory_space<hbm>> -> memref<128xi32, #tpu.memory_space<hbm>>
        %dma_start3A_143 = arith.constant 512 : i32
        %dma_start3A_144 = tpu.memref_slice %arg10[%dma_start3A_143] : memref<640xi32, #tpu.memory_space<vmem>> -> memref<128xi32, #tpu.memory_space<vmem>>
        %dma_start3A_145 = tpu.memref_slice %arg4[%add3A_25] : memref<81920xi32, #tpu.memory_space<hbm>> -> memref<128xi32, #tpu.memory_space<hbm>>
        tpu.enqueue_dma source(%dma_start3A_145 : memref<128xi32, #tpu.memory_space<hbm>>) target(%dma_start3A_144 : memref<128xi32, #tpu.memory_space<vmem>>) target_semaphore(%run_scoped3A : memref<!tpu.dma_semaphore, #tpu.memory_space<semaphore_mem>>)
        %dma_wait3A_146 = arith.constant 512 : i32
        %dma_wait3A_147 = tpu.memref_slice %arg10[%dma_wait3A_146] : memref<640xi32, #tpu.memory_space<vmem>> -> memref<128xi32, #tpu.memory_space<vmem>>
        %dma_wait3A_148 = tpu.memref_slice %arg4[%add3A_25] : memref<81920xi32, #tpu.memory_space<hbm>> -> memref<128xi32, #tpu.memory_space<hbm>>
        %dma_wait3A_149 = arith.constant 512 : i32
        %dma_wait3A_150 = tpu.memref_slice %arg10[%dma_wait3A_149] : memref<640xi32, #tpu.memory_space<vmem>> -> memref<128xi32, #tpu.memory_space<vmem>>
        %dma_wait3A_151 = tpu.memref_slice %arg4[%add3A_25] : memref<81920xi32, #tpu.memory_space<hbm>> -> memref<128xi32, #tpu.memory_space<hbm>>
        tpu.wait_dma2 semaphore(%run_scoped3A : memref<!tpu.dma_semaphore, #tpu.memory_space<semaphore_mem>>) src(%dma_wait3A_151 : memref<128xi32, #tpu.memory_space<hbm>>) dst(%dma_wait3A_150 : memref<128xi32, #tpu.memory_space<vmem>>)
        tpu.yield
      }) : () -> ()
      %dma_start3A = arith.constant 0 : i32
      %dma_start3A_26 = arith.constant 0 : i32
      %dma_start3A_27 = tpu.memref_slice %arg5[%dma_start3A, %dma_start3A_26] : memref<1000000x128xf32, #tpu.memory_space<hbm>> -> memref<1000000x128xf32, #tpu.memory_space<hbm>>
      tpu.enqueue_indirect_dma source(%dma_start3A_27 : memref<1000000x128xf32, #tpu.memory_space<hbm>>) target(%arg11 : memref<128x128xf32, #tpu.memory_space<vmem>>) offsets(%arg8 : memref<128xi32, #tpu.memory_space<vmem>>) semaphore(%arg15 : memref<!tpu.dma_semaphore, #tpu.memory_space<semaphore_mem>>)
      %dma_start3A_28 = arith.constant 0 : i32
      %dma_start3A_29 = arith.constant 0 : i32
      %dma_start3A_30 = tpu.memref_slice %arg6[%dma_start3A_28, %dma_start3A_29] : memref<1000000x128xf32, #tpu.memory_space<hbm>> -> memref<1000000x128xf32, #tpu.memory_space<hbm>>
      tpu.enqueue_indirect_dma source(%dma_start3A_30 : memref<1000000x128xf32, #tpu.memory_space<hbm>>) target(%arg12 : memref<128x128xf32, #tpu.memory_space<vmem>>) offsets(%arg9 : memref<128xi32, #tpu.memory_space<vmem>>) semaphore(%arg15 : memref<!tpu.dma_semaphore, #tpu.memory_space<semaphore_mem>>)
      %dma_start3A_31 = arith.constant 0 : i32
      %dma_start3A_32 = arith.constant 0 : i32
      %dma_start3A_33 = tpu.memref_slice %arg13[%dma_start3A_31, %dma_start3A_32] : memref<640x128xf32, #tpu.memory_space<vmem>> -> memref<128x128xf32, #tpu.memory_space<vmem>>
      %dma_start3A_34 = arith.constant 0 : i32
      %dma_start3A_35 = tpu.memref_slice %arg10[%dma_start3A_34] : memref<640xi32, #tpu.memory_space<vmem>> -> memref<128xi32, #tpu.memory_space<vmem>>
      %dma_start3A_36 = arith.constant 0 : i32
      %dma_start3A_37 = arith.constant 0 : i32
      %dma_start3A_38 = tpu.memref_slice %arg6[%dma_start3A_36, %dma_start3A_37] : memref<1000000x128xf32, #tpu.memory_space<hbm>> -> memref<1000000x128xf32, #tpu.memory_space<hbm>>
      tpu.enqueue_indirect_dma source(%dma_start3A_38 : memref<1000000x128xf32, #tpu.memory_space<hbm>>) target(%dma_start3A_33 : memref<128x128xf32, #tpu.memory_space<vmem>>) offsets(%dma_start3A_35 : memref<128xi32, #tpu.memory_space<vmem>>) semaphore(%arg15 : memref<!tpu.dma_semaphore, #tpu.memory_space<semaphore_mem>>)
      %dma_start3A_39 = arith.constant 128 : i32
      %dma_start3A_40 = arith.constant 0 : i32
      %dma_start3A_41 = tpu.memref_slice %arg13[%dma_start3A_39, %dma_start3A_40] : memref<640x128xf32, #tpu.memory_space<vmem>> -> memref<128x128xf32, #tpu.memory_space<vmem>>
      %dma_start3A_42 = arith.constant 128 : i32
      %dma_start3A_43 = tpu.memref_slice %arg10[%dma_start3A_42] : memref<640xi32, #tpu.memory_space<vmem>> -> memref<128xi32, #tpu.memory_space<vmem>>
      %dma_start3A_44 = arith.constant 0 : i32
      %dma_start3A_45 = arith.constant 0 : i32
      %dma_start3A_46 = tpu.memref_slice %arg6[%dma_start3A_44, %dma_start3A_45] : memref<1000000x128xf32, #tpu.memory_space<hbm>> -> memref<1000000x128xf32, #tpu.memory_space<hbm>>
      tpu.enqueue_indirect_dma source(%dma_start3A_46 : memref<1000000x128xf32, #tpu.memory_space<hbm>>) target(%dma_start3A_41 : memref<128x128xf32, #tpu.memory_space<vmem>>) offsets(%dma_start3A_43 : memref<128xi32, #tpu.memory_space<vmem>>) semaphore(%arg15 : memref<!tpu.dma_semaphore, #tpu.memory_space<semaphore_mem>>)
      %dma_start3A_47 = arith.constant 256 : i32
      %dma_start3A_48 = arith.constant 0 : i32
      %dma_start3A_49 = tpu.memref_slice %arg13[%dma_start3A_47, %dma_start3A_48] : memref<640x128xf32, #tpu.memory_space<vmem>> -> memref<128x128xf32, #tpu.memory_space<vmem>>
      %dma_start3A_50 = arith.constant 256 : i32
      %dma_start3A_51 = tpu.memref_slice %arg10[%dma_start3A_50] : memref<640xi32, #tpu.memory_space<vmem>> -> memref<128xi32, #tpu.memory_space<vmem>>
      %dma_start3A_52 = arith.constant 0 : i32
      %dma_start3A_53 = arith.constant 0 : i32
      %dma_start3A_54 = tpu.memref_slice %arg6[%dma_start3A_52, %dma_start3A_53] : memref<1000000x128xf32, #tpu.memory_space<hbm>> -> memref<1000000x128xf32, #tpu.memory_space<hbm>>
      tpu.enqueue_indirect_dma source(%dma_start3A_54 : memref<1000000x128xf32, #tpu.memory_space<hbm>>) target(%dma_start3A_49 : memref<128x128xf32, #tpu.memory_space<vmem>>) offsets(%dma_start3A_51 : memref<128xi32, #tpu.memory_space<vmem>>) semaphore(%arg15 : memref<!tpu.dma_semaphore, #tpu.memory_space<semaphore_mem>>)
      %dma_start3A_55 = arith.constant 384 : i32
      %dma_start3A_56 = arith.constant 0 : i32
      %dma_start3A_57 = tpu.memref_slice %arg13[%dma_start3A_55, %dma_start3A_56] : memref<640x128xf32, #tpu.memory_space<vmem>> -> memref<128x128xf32, #tpu.memory_space<vmem>>
      %dma_start3A_58 = arith.constant 384 : i32
      %dma_start3A_59 = tpu.memref_slice %arg10[%dma_start3A_58] : memref<640xi32, #tpu.memory_space<vmem>> -> memref<128xi32, #tpu.memory_space<vmem>>
      %dma_start3A_60 = arith.constant 0 : i32
      %dma_start3A_61 = arith.constant 0 : i32
      %dma_start3A_62 = tpu.memref_slice %arg6[%dma_start3A_60, %dma_start3A_61] : memref<1000000x128xf32, #tpu.memory_space<hbm>> -> memref<1000000x128xf32, #tpu.memory_space<hbm>>
      tpu.enqueue_indirect_dma source(%dma_start3A_62 : memref<1000000x128xf32, #tpu.memory_space<hbm>>) target(%dma_start3A_57 : memref<128x128xf32, #tpu.memory_space<vmem>>) offsets(%dma_start3A_59 : memref<128xi32, #tpu.memory_space<vmem>>) semaphore(%arg15 : memref<!tpu.dma_semaphore, #tpu.memory_space<semaphore_mem>>)
      %dma_start3A_63 = arith.constant 512 : i32
      %dma_start3A_64 = arith.constant 0 : i32
      %dma_start3A_65 = tpu.memref_slice %arg13[%dma_start3A_63, %dma_start3A_64] : memref<640x128xf32, #tpu.memory_space<vmem>> -> memref<128x128xf32, #tpu.memory_space<vmem>>
      %dma_start3A_66 = arith.constant 512 : i32
      %dma_start3A_67 = tpu.memref_slice %arg10[%dma_start3A_66] : memref<640xi32, #tpu.memory_space<vmem>> -> memref<128xi32, #tpu.memory_space<vmem>>
      %dma_start3A_68 = arith.constant 0 : i32
      %dma_start3A_69 = arith.constant 0 : i32
      %dma_start3A_70 = tpu.memref_slice %arg6[%dma_start3A_68, %dma_start3A_69] : memref<1000000x128xf32, #tpu.memory_space<hbm>> -> memref<1000000x128xf32, #tpu.memory_space<hbm>>
      tpu.enqueue_indirect_dma source(%dma_start3A_70 : memref<1000000x128xf32, #tpu.memory_space<hbm>>) target(%dma_start3A_65 : memref<128x128xf32, #tpu.memory_space<vmem>>) offsets(%dma_start3A_67 : memref<128xi32, #tpu.memory_space<vmem>>) semaphore(%arg15 : memref<!tpu.dma_semaphore, #tpu.memory_space<semaphore_mem>>)
      %dma_wait3A = arith.constant 0 : i32
      %dma_wait3A_71 = arith.constant 0 : i32
      %dma_wait3A_72 = tpu.memref_slice %arg5[%dma_wait3A, %dma_wait3A_71] : memref<1000000x128xf32, #tpu.memory_space<hbm>> -> memref<1000000x128xf32, #tpu.memory_space<hbm>>
      tpu.wait_indirect_dma semaphore(%arg15 : memref<!tpu.dma_semaphore, #tpu.memory_space<semaphore_mem>>) src(%dma_wait3A_72 : memref<1000000x128xf32, #tpu.memory_space<hbm>>) dst(%arg11 : memref<128x128xf32, #tpu.memory_space<vmem>>)
      %dma_wait3A_73 = arith.constant 0 : i32
      %dma_wait3A_74 = arith.constant 0 : i32
      %dma_wait3A_75 = tpu.memref_slice %arg6[%dma_wait3A_73, %dma_wait3A_74] : memref<1000000x128xf32, #tpu.memory_space<hbm>> -> memref<1000000x128xf32, #tpu.memory_space<hbm>>
      tpu.wait_indirect_dma semaphore(%arg15 : memref<!tpu.dma_semaphore, #tpu.memory_space<semaphore_mem>>) src(%dma_wait3A_75 : memref<1000000x128xf32, #tpu.memory_space<hbm>>) dst(%arg12 : memref<128x128xf32, #tpu.memory_space<vmem>>)
      %dma_wait3A_76 = arith.constant 0 : i32
      %dma_wait3A_77 = arith.constant 0 : i32
      %dma_wait3A_78 = tpu.memref_slice %arg13[%dma_wait3A_76, %dma_wait3A_77] : memref<640x128xf32, #tpu.memory_space<vmem>> -> memref<128x128xf32, #tpu.memory_space<vmem>>
      %dma_wait3A_79 = arith.constant 0 : i32
      %dma_wait3A_80 = tpu.memref_slice %arg10[%dma_wait3A_79] : memref<640xi32, #tpu.memory_space<vmem>> -> memref<128xi32, #tpu.memory_space<vmem>>
      %dma_wait3A_81 = arith.constant 0 : i32
      %dma_wait3A_82 = arith.constant 0 : i32
      %dma_wait3A_83 = tpu.memref_slice %arg6[%dma_wait3A_81, %dma_wait3A_82] : memref<1000000x128xf32, #tpu.memory_space<hbm>> -> memref<1000000x128xf32, #tpu.memory_space<hbm>>
      tpu.wait_indirect_dma semaphore(%arg15 : memref<!tpu.dma_semaphore, #tpu.memory_space<semaphore_mem>>) src(%dma_wait3A_83 : memref<1000000x128xf32, #tpu.memory_space<hbm>>) dst(%dma_wait3A_78 : memref<128x128xf32, #tpu.memory_space<vmem>>)
      %dma_wait3A_84 = arith.constant 128 : i32
      %dma_wait3A_85 = arith.constant 0 : i32
      %dma_wait3A_86 = tpu.memref_slice %arg13[%dma_wait3A_84, %dma_wait3A_85] : memref<640x128xf32, #tpu.memory_space<vmem>> -> memref<128x128xf32, #tpu.memory_space<vmem>>
      %dma_wait3A_87 = arith.constant 128 : i32
      %dma_wait3A_88 = tpu.memref_slice %arg10[%dma_wait3A_87] : memref<640xi32, #tpu.memory_space<vmem>> -> memref<128xi32, #tpu.memory_space<vmem>>
      %dma_wait3A_89 = arith.constant 0 : i32
      %dma_wait3A_90 = arith.constant 0 : i32
      %dma_wait3A_91 = tpu.memref_slice %arg6[%dma_wait3A_89, %dma_wait3A_90] : memref<1000000x128xf32, #tpu.memory_space<hbm>> -> memref<1000000x128xf32, #tpu.memory_space<hbm>>
      tpu.wait_indirect_dma semaphore(%arg15 : memref<!tpu.dma_semaphore, #tpu.memory_space<semaphore_mem>>) src(%dma_wait3A_91 : memref<1000000x128xf32, #tpu.memory_space<hbm>>) dst(%dma_wait3A_86 : memref<128x128xf32, #tpu.memory_space<vmem>>)
      %dma_wait3A_92 = arith.constant 256 : i32
      %dma_wait3A_93 = arith.constant 0 : i32
      %dma_wait3A_94 = tpu.memref_slice %arg13[%dma_wait3A_92, %dma_wait3A_93] : memref<640x128xf32, #tpu.memory_space<vmem>> -> memref<128x128xf32, #tpu.memory_space<vmem>>
      %dma_wait3A_95 = arith.constant 256 : i32
      %dma_wait3A_96 = tpu.memref_slice %arg10[%dma_wait3A_95] : memref<640xi32, #tpu.memory_space<vmem>> -> memref<128xi32, #tpu.memory_space<vmem>>
      %dma_wait3A_97 = arith.constant 0 : i32
      %dma_wait3A_98 = arith.constant 0 : i32
      %dma_wait3A_99 = tpu.memref_slice %arg6[%dma_wait3A_97, %dma_wait3A_98] : memref<1000000x128xf32, #tpu.memory_space<hbm>> -> memref<1000000x128xf32, #tpu.memory_space<hbm>>
      tpu.wait_indirect_dma semaphore(%arg15 : memref<!tpu.dma_semaphore, #tpu.memory_space<semaphore_mem>>) src(%dma_wait3A_99 : memref<1000000x128xf32, #tpu.memory_space<hbm>>) dst(%dma_wait3A_94 : memref<128x128xf32, #tpu.memory_space<vmem>>)
      %dma_wait3A_100 = arith.constant 384 : i32
      %dma_wait3A_101 = arith.constant 0 : i32
      %dma_wait3A_102 = tpu.memref_slice %arg13[%dma_wait3A_100, %dma_wait3A_101] : memref<640x128xf32, #tpu.memory_space<vmem>> -> memref<128x128xf32, #tpu.memory_space<vmem>>
      %dma_wait3A_103 = arith.constant 384 : i32
      %dma_wait3A_104 = tpu.memref_slice %arg10[%dma_wait3A_103] : memref<640xi32, #tpu.memory_space<vmem>> -> memref<128xi32, #tpu.memory_space<vmem>>
      %dma_wait3A_105 = arith.constant 0 : i32
      %dma_wait3A_106 = arith.constant 0 : i32
      %dma_wait3A_107 = tpu.memref_slice %arg6[%dma_wait3A_105, %dma_wait3A_106] : memref<1000000x128xf32, #tpu.memory_space<hbm>> -> memref<1000000x128xf32, #tpu.memory_space<hbm>>
      tpu.wait_indirect_dma semaphore(%arg15 : memref<!tpu.dma_semaphore, #tpu.memory_space<semaphore_mem>>) src(%dma_wait3A_107 : memref<1000000x128xf32, #tpu.memory_space<hbm>>) dst(%dma_wait3A_102 : memref<128x128xf32, #tpu.memory_space<vmem>>)
      %dma_wait3A_108 = arith.constant 512 : i32
      %dma_wait3A_109 = arith.constant 0 : i32
      %dma_wait3A_110 = tpu.memref_slice %arg13[%dma_wait3A_108, %dma_wait3A_109] : memref<640x128xf32, #tpu.memory_space<vmem>> -> memref<128x128xf32, #tpu.memory_space<vmem>>
      %dma_wait3A_111 = arith.constant 512 : i32
      %dma_wait3A_112 = tpu.memref_slice %arg10[%dma_wait3A_111] : memref<640xi32, #tpu.memory_space<vmem>> -> memref<128xi32, #tpu.memory_space<vmem>>
      %dma_wait3A_113 = arith.constant 0 : i32
      %dma_wait3A_114 = arith.constant 0 : i32
      %dma_wait3A_115 = tpu.memref_slice %arg6[%dma_wait3A_113, %dma_wait3A_114] : memref<1000000x128xf32, #tpu.memory_space<hbm>> -> memref<1000000x128xf32, #tpu.memory_space<hbm>>
      tpu.wait_indirect_dma semaphore(%arg15 : memref<!tpu.dma_semaphore, #tpu.memory_space<semaphore_mem>>) src(%dma_wait3A_115 : memref<1000000x128xf32, #tpu.memory_space<hbm>>) dst(%dma_wait3A_110 : memref<128x128xf32, #tpu.memory_space<vmem>>)
      %scan3A_116 = arith.constant 0 : i32
      %scan3A_117 = arith.constant 0 : i32
      %scan3A_118 = arith.constant 128 : i32
      %scan3A_119 = arith.addi %scan3A_117, %scan3A_118 : i32
      %scan3A_120 = arith.constant 1 : i32
      scf.for %scan3A_140 = %scan3A_117 to %scan3A_119 step %scan3A_120  : i32 {
        %get3A = arith.index_cast %scan3A_140 : i32 to index
        %get3A_141 = arith.constant 0 : index
        %get3A_142 = tpu.vector_load %arg11[%get3A, %get3A_141] {strides = array<i32>} : memref<128x128xf32, #tpu.memory_space<vmem>>, vector<1x16xf32>,
        %get3A_143 = vector.shape_cast %get3A_142 : vector<1x16xf32> to vector<16xf32>
        %get3A_144 = arith.index_cast %scan3A_140 : i32 to index
        %get3A_145 = arith.constant 16 : index
        %get3A_146 = tpu.vector_load %arg11[%get3A_144, %get3A_145] {strides = array<i32>} : memref<128x128xf32, #tpu.memory_space<vmem>>, vector<1x16xf32>,
        %get3A_147 = vector.shape_cast %get3A_146 : vector<1x16xf32> to vector<16xf32>
        %get3A_148 = arith.index_cast %scan3A_140 : i32 to index
        %get3A_149 = arith.constant 32 : index
        %get3A_150 = tpu.vector_load %arg11[%get3A_148, %get3A_149] {strides = array<i32>} : memref<128x128xf32, #tpu.memory_space<vmem>>, vector<1x16xf32>,
        %get3A_151 = vector.shape_cast %get3A_150 : vector<1x16xf32> to vector<16xf32>
        %get3A_152 = arith.index_cast %scan3A_140 : i32 to index
        %get3A_153 = arith.constant 48 : index
        %get3A_154 = tpu.vector_load %arg11[%get3A_152, %get3A_153] {strides = array<i32>} : memref<128x128xf32, #tpu.memory_space<vmem>>, vector<1x16xf32>,
        %get3A_155 = vector.shape_cast %get3A_154 : vector<1x16xf32> to vector<16xf32>
        %get3A_156 = arith.index_cast %scan3A_140 : i32 to index
        %get3A_157 = arith.constant 0 : index
        %get3A_158 = tpu.vector_load %arg12[%get3A_156, %get3A_157] {strides = array<i32>} : memref<128x128xf32, #tpu.memory_space<vmem>>, vector<1x16xf32>,
        %get3A_159 = vector.shape_cast %get3A_158 : vector<1x16xf32> to vector<16xf32>
        %mul3A_160 = arith.mulf %get3A_143, %get3A_159 : vector<16xf32>
        %get3A_161 = arith.index_cast %scan3A_140 : i32 to index
        %get3A_162 = arith.constant 16 : index
        %get3A_163 = tpu.vector_load %arg12[%get3A_161, %get3A_162] {strides = array<i32>} : memref<128x128xf32, #tpu.memory_space<vmem>>, vector<1x16xf32>,
        %get3A_164 = vector.shape_cast %get3A_163 : vector<1x16xf32> to vector<16xf32>
        %mul3A_165 = arith.mulf %get3A_147, %get3A_164 : vector<16xf32>
        %add3A_166 = arith.addf %mul3A_160, %mul3A_165 : vector<16xf32>
        %get3A_167 = arith.index_cast %scan3A_140 : i32 to index
        %get3A_168 = arith.constant 32 : index
        %get3A_169 = tpu.vector_load %arg12[%get3A_167, %get3A_168] {strides = array<i32>} : memref<128x128xf32, #tpu.memory_space<vmem>>, vector<1x16xf32>,
        %get3A_170 = vector.shape_cast %get3A_169 : vector<1x16xf32> to vector<16xf32>
        %mul3A_171 = arith.mulf %get3A_151, %get3A_170 : vector<16xf32>
        %add3A_172 = arith.addf %add3A_166, %mul3A_171 : vector<16xf32>
        %get3A_173 = arith.index_cast %scan3A_140 : i32 to index
        %get3A_174 = arith.constant 48 : index
        %get3A_175 = tpu.vector_load %arg12[%get3A_173, %get3A_174] {strides = array<i32>} : memref<128x128xf32, #tpu.memory_space<vmem>>, vector<1x16xf32>,
        %get3A_176 = vector.shape_cast %get3A_175 : vector<1x16xf32> to vector<16xf32>
        %mul3A_177 = arith.mulf %get3A_155, %get3A_176 : vector<16xf32>
        %add3A_178 = arith.addf %add3A_172, %mul3A_177 : vector<16xf32>
        %eq3A = arith.constant 0 : i32
        %eq3A_179 = vector.broadcast %eq3A : i32 to vector<16xi32>
        %eq3A_180 = arith.cmpi eq, %iota3A, %eq3A_179 : vector<16xi32>
        %xor3A = arith.constant 8 : i32
        %xor3A_181 = vector.broadcast %xor3A : i32 to vector<16xi32>
        %xor3A_182 = arith.xori %iota3A, %xor3A_181 : vector<16xi32>
        %lt3A_183 = arith.constant 0 : i32
        %lt3A_184 = vector.broadcast %lt3A_183 : i32 to vector<16xi32>
        %lt3A_185 = arith.cmpi slt, %xor3A_182, %lt3A_184 : vector<16xi32>
        %add3A_186 = arith.constant 16 : i32
        %add3A_187 = vector.broadcast %add3A_186 : i32 to vector<16xi32>
        %add3A_188 = arith.addi %xor3A_182, %add3A_187 : vector<16xi32>
        %select_n3A_189 = arith.select %lt3A_185, %add3A_188, %xor3A_182 : vector<16xi1>, vector<16xi32>
        %broadcast_in_dim3A_190 = vector.shape_cast %select_n3A_189 : vector<16xi32> to vector<16x1xi32>
        %gather3A = vector.shape_cast %broadcast_in_dim3A_190 : vector<16x1xi32> to vector<16xi32>
        %gather3A_191 = tpu.dynamic_gather %add3A_178[%gather3A] in [0] : vector<16xf32>, vector<16xi32> -> vector<16xf32>
        %add3A_192 = arith.addf %add3A_178, %gather3A_191 : vector<16xf32>
        %xor3A_193 = arith.constant 4 : i32
        %xor3A_194 = vector.broadcast %xor3A_193 : i32 to vector<16xi32>
        %xor3A_195 = arith.xori %iota3A, %xor3A_194 : vector<16xi32>
        %lt3A_196 = arith.constant 0 : i32
        %lt3A_197 = vector.broadcast %lt3A_196 : i32 to vector<16xi32>
        %lt3A_198 = arith.cmpi slt, %xor3A_195, %lt3A_197 : vector<16xi32>
        %add3A_199 = arith.constant 16 : i32
        %add3A_200 = vector.broadcast %add3A_199 : i32 to vector<16xi32>
        %add3A_201 = arith.addi %xor3A_195, %add3A_200 : vector<16xi32>
        %select_n3A_202 = arith.select %lt3A_198, %add3A_201, %xor3A_195 : vector<16xi1>, vector<16xi32>
        %broadcast_in_dim3A_203 = vector.shape_cast %select_n3A_202 : vector<16xi32> to vector<16x1xi32>
        %gather3A_204 = vector.shape_cast %broadcast_in_dim3A_203 : vector<16x1xi32> to vector<16xi32>
        %gather3A_205 = tpu.dynamic_gather %add3A_192[%gather3A_204] in [0] : vector<16xf32>, vector<16xi32> -> vector<16xf32>
        %add3A_206 = arith.addf %add3A_192, %gather3A_205 : vector<16xf32>
        %xor3A_207 = arith.constant 2 : i32
        %xor3A_208 = vector.broadcast %xor3A_207 : i32 to vector<16xi32>
        %xor3A_209 = arith.xori %iota3A, %xor3A_208 : vector<16xi32>
        %lt3A_210 = arith.constant 0 : i32
        %lt3A_211 = vector.broadcast %lt3A_210 : i32 to vector<16xi32>
        %lt3A_212 = arith.cmpi slt, %xor3A_209, %lt3A_211 : vector<16xi32>
        %add3A_213 = arith.constant 16 : i32
        %add3A_214 = vector.broadcast %add3A_213 : i32 to vector<16xi32>
        %add3A_215 = arith.addi %xor3A_209, %add3A_214 : vector<16xi32>
        %select_n3A_216 = arith.select %lt3A_212, %add3A_215, %xor3A_209 : vector<16xi1>, vector<16xi32>
        %broadcast_in_dim3A_217 = vector.shape_cast %select_n3A_216 : vector<16xi32> to vector<16x1xi32>
        %gather3A_218 = vector.shape_cast %broadcast_in_dim3A_217 : vector<16x1xi32> to vector<16xi32>
        %gather3A_219 = tpu.dynamic_gather %add3A_206[%gather3A_218] in [0] : vector<16xf32>, vector<16xi32> -> vector<16xf32>
        %add3A_220 = arith.addf %add3A_206, %gather3A_219 : vector<16xf32>
        %xor3A_221 = arith.constant 1 : i32
        %xor3A_222 = vector.broadcast %xor3A_221 : i32 to vector<16xi32>
        %xor3A_223 = arith.xori %iota3A, %xor3A_222 : vector<16xi32>
        %lt3A_224 = arith.constant 0 : i32
        %lt3A_225 = vector.broadcast %lt3A_224 : i32 to vector<16xi32>
        %lt3A_226 = arith.cmpi slt, %xor3A_223, %lt3A_225 : vector<16xi32>
        %add3A_227 = arith.constant 16 : i32
        %add3A_228 = vector.broadcast %add3A_227 : i32 to vector<16xi32>
        %add3A_229 = arith.addi %xor3A_223, %add3A_228 : vector<16xi32>
        %select_n3A_230 = arith.select %lt3A_226, %add3A_229, %xor3A_223 : vector<16xi1>, vector<16xi32>
        %broadcast_in_dim3A_231 = vector.shape_cast %select_n3A_230 : vector<16xi32> to vector<16x1xi32>
        %gather3A_232 = vector.shape_cast %broadcast_in_dim3A_231 : vector<16x1xi32> to vector<16xi32>
        %gather3A_233 = tpu.dynamic_gather %add3A_220[%gather3A_232] in [0] : vector<16xf32>, vector<16xi32> -> vector<16xf32>
        %add3A_234 = arith.addf %add3A_220, %gather3A_233 : vector<16xf32>
        %select_n3A_235 = arith.select %eq3A_180, %add3A_234, %select_n3A : vector<16xi1>, vector<16xf32>
        %add3A_236 = arith.constant 0 : i32
        %add3A_237 = arith.addi %add3A_236, %scan3A_140 : i32
        %get3A_238 = arith.index_cast %add3A_237 : i32 to index
        %get3A_239 = arith.constant 0 : index
        %get3A_240 = tpu.vector_load %arg13[%get3A_238, %get3A_239] {strides = array<i32>} : memref<640x128xf32, #tpu.memory_space<vmem>>, vector<1x16xf32>,
        %get3A_241 = vector.shape_cast %get3A_240 : vector<1x16xf32> to vector<16xf32>
        %mul3A_242 = arith.mulf %get3A_143, %get3A_241 : vector<16xf32>
        %add3A_243 = arith.constant 0 : i32
        %add3A_244 = arith.addi %add3A_243, %scan3A_140 : i32
        %get3A_245 = arith.index_cast %add3A_244 : i32 to index
        %get3A_246 = arith.constant 16 : index
        %get3A_247 = tpu.vector_load %arg13[%get3A_245, %get3A_246] {strides = array<i32>} : memref<640x128xf32, #tpu.memory_space<vmem>>, vector<1x16xf32>,
        %get3A_248 = vector.shape_cast %get3A_247 : vector<1x16xf32> to vector<16xf32>
        %mul3A_249 = arith.mulf %get3A_147, %get3A_248 : vector<16xf32>
        %add3A_250 = arith.addf %mul3A_242, %mul3A_249 : vector<16xf32>
        %add3A_251 = arith.constant 0 : i32
        %add3A_252 = arith.addi %add3A_251, %scan3A_140 : i32
        %get3A_253 = arith.index_cast %add3A_252 : i32 to index
        %get3A_254 = arith.constant 32 : index
        %get3A_255 = tpu.vector_load %arg13[%get3A_253, %get3A_254] {strides = array<i32>} : memref<640x128xf32, #tpu.memory_space<vmem>>, vector<1x16xf32>,
        %get3A_256 = vector.shape_cast %get3A_255 : vector<1x16xf32> to vector<16xf32>
        %mul3A_257 = arith.mulf %get3A_151, %get3A_256 : vector<16xf32>
        %add3A_258 = arith.addf %add3A_250, %mul3A_257 : vector<16xf32>
        %add3A_259 = arith.constant 0 : i32
        %add3A_260 = arith.addi %add3A_259, %scan3A_140 : i32
        %get3A_261 = arith.index_cast %add3A_260 : i32 to index
        %get3A_262 = arith.constant 48 : index
        %get3A_263 = tpu.vector_load %arg13[%get3A_261, %get3A_262] {strides = array<i32>} : memref<640x128xf32, #tpu.memory_space<vmem>>, vector<1x16xf32>,
        %get3A_264 = vector.shape_cast %get3A_263 : vector<1x16xf32> to vector<16xf32>
        %mul3A_265 = arith.mulf %get3A_155, %get3A_264 : vector<16xf32>
        %add3A_266 = arith.addf %add3A_258, %mul3A_265 : vector<16xf32>
        %eq3A_267 = arith.constant 1 : i32
        %eq3A_268 = vector.broadcast %eq3A_267 : i32 to vector<16xi32>
        %eq3A_269 = arith.cmpi eq, %iota3A, %eq3A_268 : vector<16xi32>
        %xor3A_270 = arith.constant 8 : i32
        %xor3A_271 = vector.broadcast %xor3A_270 : i32 to vector<16xi32>
        %xor3A_272 = arith.xori %iota3A, %xor3A_271 : vector<16xi32>
        %lt3A_273 = arith.constant 0 : i32
        %lt3A_274 = vector.broadcast %lt3A_273 : i32 to vector<16xi32>
        %lt3A_275 = arith.cmpi slt, %xor3A_272, %lt3A_274 : vector<16xi32>
        %add3A_276 = arith.constant 16 : i32
        %add3A_277 = vector.broadcast %add3A_276 : i32 to vector<16xi32>
        %add3A_278 = arith.addi %xor3A_272, %add3A_277 : vector<16xi32>
        %select_n3A_279 = arith.select %lt3A_275, %add3A_278, %xor3A_272 : vector<16xi1>, vector<16xi32>
        %broadcast_in_dim3A_280 = vector.shape_cast %select_n3A_279 : vector<16xi32> to vector<16x1xi32>
        %gather3A_281 = vector.shape_cast %broadcast_in_dim3A_280 : vector<16x1xi32> to vector<16xi32>
        %gather3A_282 = tpu.dynamic_gather %add3A_266[%gather3A_281] in [0] : vector<16xf32>, vector<16xi32> -> vector<16xf32>
        %add3A_283 = arith.addf %add3A_266, %gather3A_282 : vector<16xf32>
        %xor3A_284 = arith.constant 4 : i32
        %xor3A_285 = vector.broadcast %xor3A_284 : i32 to vector<16xi32>
        %xor3A_286 = arith.xori %iota3A, %xor3A_285 : vector<16xi32>
        %lt3A_287 = arith.constant 0 : i32
        %lt3A_288 = vector.broadcast %lt3A_287 : i32 to vector<16xi32>
        %lt3A_289 = arith.cmpi slt, %xor3A_286, %lt3A_288 : vector<16xi32>
        %add3A_290 = arith.constant 16 : i32
        %add3A_291 = vector.broadcast %add3A_290 : i32 to vector<16xi32>
        %add3A_292 = arith.addi %xor3A_286, %add3A_291 : vector<16xi32>
        %select_n3A_293 = arith.select %lt3A_289, %add3A_292, %xor3A_286 : vector<16xi1>, vector<16xi32>
        %broadcast_in_dim3A_294 = vector.shape_cast %select_n3A_293 : vector<16xi32> to vector<16x1xi32>
        %gather3A_295 = vector.shape_cast %broadcast_in_dim3A_294 : vector<16x1xi32> to vector<16xi32>
        %gather3A_296 = tpu.dynamic_gather %add3A_283[%gather3A_295] in [0] : vector<16xf32>, vector<16xi32> -> vector<16xf32>
        %add3A_297 = arith.addf %add3A_283, %gather3A_296 : vector<16xf32>
        %xor3A_298 = arith.constant 2 : i32
        %xor3A_299 = vector.broadcast %xor3A_298 : i32 to vector<16xi32>
        %xor3A_300 = arith.xori %iota3A, %xor3A_299 : vector<16xi32>
        %lt3A_301 = arith.constant 0 : i32
        %lt3A_302 = vector.broadcast %lt3A_301 : i32 to vector<16xi32>
        %lt3A_303 = arith.cmpi slt, %xor3A_300, %lt3A_302 : vector<16xi32>
        %add3A_304 = arith.constant 16 : i32
        %add3A_305 = vector.broadcast %add3A_304 : i32 to vector<16xi32>
        %add3A_306 = arith.addi %xor3A_300, %add3A_305 : vector<16xi32>
        %select_n3A_307 = arith.select %lt3A_303, %add3A_306, %xor3A_300 : vector<16xi1>, vector<16xi32>
        %broadcast_in_dim3A_308 = vector.shape_cast %select_n3A_307 : vector<16xi32> to vector<16x1xi32>
        %gather3A_309 = vector.shape_cast %broadcast_in_dim3A_308 : vector<16x1xi32> to vector<16xi32>
        %gather3A_310 = tpu.dynamic_gather %add3A_297[%gather3A_309] in [0] : vector<16xf32>, vector<16xi32> -> vector<16xf32>
        %add3A_311 = arith.addf %add3A_297, %gather3A_310 : vector<16xf32>
        %xor3A_312 = arith.constant 1 : i32
        %xor3A_313 = vector.broadcast %xor3A_312 : i32 to vector<16xi32>
        %xor3A_314 = arith.xori %iota3A, %xor3A_313 : vector<16xi32>
        %lt3A_315 = arith.constant 0 : i32
        %lt3A_316 = vector.broadcast %lt3A_315 : i32 to vector<16xi32>
        %lt3A_317 = arith.cmpi slt, %xor3A_314, %lt3A_316 : vector<16xi32>
        %add3A_318 = arith.constant 16 : i32
        %add3A_319 = vector.broadcast %add3A_318 : i32 to vector<16xi32>
        %add3A_320 = arith.addi %xor3A_314, %add3A_319 : vector<16xi32>
        %select_n3A_321 = arith.select %lt3A_317, %add3A_320, %xor3A_314 : vector<16xi1>, vector<16xi32>
        %broadcast_in_dim3A_322 = vector.shape_cast %select_n3A_321 : vector<16xi32> to vector<16x1xi32>
        %gather3A_323 = vector.shape_cast %broadcast_in_dim3A_322 : vector<16x1xi32> to vector<16xi32>
        %gather3A_324 = tpu.dynamic_gather %add3A_311[%gather3A_323] in [0] : vector<16xf32>, vector<16xi32> -> vector<16xf32>
        %add3A_325 = arith.addf %add3A_311, %gather3A_324 : vector<16xf32>
        %neg3A = arith.constant 0.000000e+00 : f32
        %neg3A_326 = vector.broadcast %neg3A : f32 to vector<16xf32>
        %neg3A_327 = arith.subf %neg3A_326, %add3A_325 : vector<16xf32>
        %select_n3A_328 = arith.select %eq3A_269, %neg3A_327, %select_n3A_235 : vector<16xi1>, vector<16xf32>
        %add3A_329 = arith.constant 128 : i32
        %add3A_330 = arith.addi %add3A_329, %scan3A_140 : i32
        %get3A_331 = arith.index_cast %add3A_330 : i32 to index
        %get3A_332 = arith.constant 0 : index
        %get3A_333 = tpu.vector_load %arg13[%get3A_331, %get3A_332] {strides = array<i32>} : memref<640x128xf32, #tpu.memory_space<vmem>>, vector<1x16xf32>,
        %get3A_334 = vector.shape_cast %get3A_333 : vector<1x16xf32> to vector<16xf32>
        %mul3A_335 = arith.mulf %get3A_143, %get3A_334 : vector<16xf32>
        %add3A_336 = arith.constant 128 : i32
        %add3A_337 = arith.addi %add3A_336, %scan3A_140 : i32
        %get3A_338 = arith.index_cast %add3A_337 : i32 to index
        %get3A_339 = arith.constant 16 : index
        %get3A_340 = tpu.vector_load %arg13[%get3A_338, %get3A_339] {strides = array<i32>} : memref<640x128xf32, #tpu.memory_space<vmem>>, vector<1x16xf32>,
        %get3A_341 = vector.shape_cast %get3A_340 : vector<1x16xf32> to vector<16xf32>
        %mul3A_342 = arith.mulf %get3A_147, %get3A_341 : vector<16xf32>
        %add3A_343 = arith.addf %mul3A_335, %mul3A_342 : vector<16xf32>
        %add3A_344 = arith.constant 128 : i32
        %add3A_345 = arith.addi %add3A_344, %scan3A_140 : i32
        %get3A_346 = arith.index_cast %add3A_345 : i32 to index
        %get3A_347 = arith.constant 32 : index
        %get3A_348 = tpu.vector_load %arg13[%get3A_346, %get3A_347] {strides = array<i32>} : memref<640x128xf32, #tpu.memory_space<vmem>>, vector<1x16xf32>,
        %get3A_349 = vector.shape_cast %get3A_348 : vector<1x16xf32> to vector<16xf32>
        %mul3A_350 = arith.mulf %get3A_151, %get3A_349 : vector<16xf32>
        %add3A_351 = arith.addf %add3A_343, %mul3A_350 : vector<16xf32>
        %add3A_352 = arith.constant 128 : i32
        %add3A_353 = arith.addi %add3A_352, %scan3A_140 : i32
        %get3A_354 = arith.index_cast %add3A_353 : i32 to index
        %get3A_355 = arith.constant 48 : index
        %get3A_356 = tpu.vector_load %arg13[%get3A_354, %get3A_355] {strides = array<i32>} : memref<640x128xf32, #tpu.memory_space<vmem>>, vector<1x16xf32>,
        %get3A_357 = vector.shape_cast %get3A_356 : vector<1x16xf32> to vector<16xf32>
        %mul3A_358 = arith.mulf %get3A_155, %get3A_357 : vector<16xf32>
        %add3A_359 = arith.addf %add3A_351, %mul3A_358 : vector<16xf32>
        %eq3A_360 = arith.constant 2 : i32
        %eq3A_361 = vector.broadcast %eq3A_360 : i32 to vector<16xi32>
        %eq3A_362 = arith.cmpi eq, %iota3A, %eq3A_361 : vector<16xi32>
        %xor3A_363 = arith.constant 8 : i32
        %xor3A_364 = vector.broadcast %xor3A_363 : i32 to vector<16xi32>
        %xor3A_365 = arith.xori %iota3A, %xor3A_364 : vector<16xi32>
        %lt3A_366 = arith.constant 0 : i32
        %lt3A_367 = vector.broadcast %lt3A_366 : i32 to vector<16xi32>
        %lt3A_368 = arith.cmpi slt, %xor3A_365, %lt3A_367 : vector<16xi32>
        %add3A_369 = arith.constant 16 : i32
        %add3A_370 = vector.broadcast %add3A_369 : i32 to vector<16xi32>
        %add3A_371 = arith.addi %xor3A_365, %add3A_370 : vector<16xi32>
        %select_n3A_372 = arith.select %lt3A_368, %add3A_371, %xor3A_365 : vector<16xi1>, vector<16xi32>
        %broadcast_in_dim3A_373 = vector.shape_cast %select_n3A_372 : vector<16xi32> to vector<16x1xi32>
        %gather3A_374 = vector.shape_cast %broadcast_in_dim3A_373 : vector<16x1xi32> to vector<16xi32>
        %gather3A_375 = tpu.dynamic_gather %add3A_359[%gather3A_374] in [0] : vector<16xf32>, vector<16xi32> -> vector<16xf32>
        %add3A_376 = arith.addf %add3A_359, %gather3A_375 : vector<16xf32>
        %xor3A_377 = arith.constant 4 : i32
        %xor3A_378 = vector.broadcast %xor3A_377 : i32 to vector<16xi32>
        %xor3A_379 = arith.xori %iota3A, %xor3A_378 : vector<16xi32>
        %lt3A_380 = arith.constant 0 : i32
        %lt3A_381 = vector.broadcast %lt3A_380 : i32 to vector<16xi32>
        %lt3A_382 = arith.cmpi slt, %xor3A_379, %lt3A_381 : vector<16xi32>
        %add3A_383 = arith.constant 16 : i32
        %add3A_384 = vector.broadcast %add3A_383 : i32 to vector<16xi32>
        %add3A_385 = arith.addi %xor3A_379, %add3A_384 : vector<16xi32>
        %select_n3A_386 = arith.select %lt3A_382, %add3A_385, %xor3A_379 : vector<16xi1>, vector<16xi32>
        %broadcast_in_dim3A_387 = vector.shape_cast %select_n3A_386 : vector<16xi32> to vector<16x1xi32>
        %gather3A_388 = vector.shape_cast %broadcast_in_dim3A_387 : vector<16x1xi32> to vector<16xi32>
        %gather3A_389 = tpu.dynamic_gather %add3A_376[%gather3A_388] in [0] : vector<16xf32>, vector<16xi32> -> vector<16xf32>
        %add3A_390 = arith.addf %add3A_376, %gather3A_389 : vector<16xf32>
        %xor3A_391 = arith.constant 2 : i32
        %xor3A_392 = vector.broadcast %xor3A_391 : i32 to vector<16xi32>
        %xor3A_393 = arith.xori %iota3A, %xor3A_392 : vector<16xi32>
        %lt3A_394 = arith.constant 0 : i32
        %lt3A_395 = vector.broadcast %lt3A_394 : i32 to vector<16xi32>
        %lt3A_396 = arith.cmpi slt, %xor3A_393, %lt3A_395 : vector<16xi32>
        %add3A_397 = arith.constant 16 : i32
        %add3A_398 = vector.broadcast %add3A_397 : i32 to vector<16xi32>
        %add3A_399 = arith.addi %xor3A_393, %add3A_398 : vector<16xi32>
        %select_n3A_400 = arith.select %lt3A_396, %add3A_399, %xor3A_393 : vector<16xi1>, vector<16xi32>
        %broadcast_in_dim3A_401 = vector.shape_cast %select_n3A_400 : vector<16xi32> to vector<16x1xi32>
        %gather3A_402 = vector.shape_cast %broadcast_in_dim3A_401 : vector<16x1xi32> to vector<16xi32>
        %gather3A_403 = tpu.dynamic_gather %add3A_390[%gather3A_402] in [0] : vector<16xf32>, vector<16xi32> -> vector<16xf32>
        %add3A_404 = arith.addf %add3A_390, %gather3A_403 : vector<16xf32>
        %xor3A_405 = arith.constant 1 : i32
        %xor3A_406 = vector.broadcast %xor3A_405 : i32 to vector<16xi32>
        %xor3A_407 = arith.xori %iota3A, %xor3A_406 : vector<16xi32>
        %lt3A_408 = arith.constant 0 : i32
        %lt3A_409 = vector.broadcast %lt3A_408 : i32 to vector<16xi32>
        %lt3A_410 = arith.cmpi slt, %xor3A_407, %lt3A_409 : vector<16xi32>
        %add3A_411 = arith.constant 16 : i32
        %add3A_412 = vector.broadcast %add3A_411 : i32 to vector<16xi32>
        %add3A_413 = arith.addi %xor3A_407, %add3A_412 : vector<16xi32>
        %select_n3A_414 = arith.select %lt3A_410, %add3A_413, %xor3A_407 : vector<16xi1>, vector<16xi32>
        %broadcast_in_dim3A_415 = vector.shape_cast %select_n3A_414 : vector<16xi32> to vector<16x1xi32>
        %gather3A_416 = vector.shape_cast %broadcast_in_dim3A_415 : vector<16x1xi32> to vector<16xi32>
        %gather3A_417 = tpu.dynamic_gather %add3A_404[%gather3A_416] in [0] : vector<16xf32>, vector<16xi32> -> vector<16xf32>
        %add3A_418 = arith.addf %add3A_404, %gather3A_417 : vector<16xf32>
        %neg3A_419 = arith.constant 0.000000e+00 : f32
        %neg3A_420 = vector.broadcast %neg3A_419 : f32 to vector<16xf32>
        %neg3A_421 = arith.subf %neg3A_420, %add3A_418 : vector<16xf32>
        %select_n3A_422 = arith.select %eq3A_362, %neg3A_421, %select_n3A_328 : vector<16xi1>, vector<16xf32>
        %add3A_423 = arith.constant 256 : i32
        %add3A_424 = arith.addi %add3A_423, %scan3A_140 : i32
        %get3A_425 = arith.index_cast %add3A_424 : i32 to index
        %get3A_426 = arith.constant 0 : index
        %get3A_427 = tpu.vector_load %arg13[%get3A_425, %get3A_426] {strides = array<i32>} : memref<640x128xf32, #tpu.memory_space<vmem>>, vector<1x16xf32>,
        %get3A_428 = vector.shape_cast %get3A_427 : vector<1x16xf32> to vector<16xf32>
        %mul3A_429 = arith.mulf %get3A_143, %get3A_428 : vector<16xf32>
        %add3A_430 = arith.constant 256 : i32
        %add3A_431 = arith.addi %add3A_430, %scan3A_140 : i32
        %get3A_432 = arith.index_cast %add3A_431 : i32 to index
        %get3A_433 = arith.constant 16 : index
        %get3A_434 = tpu.vector_load %arg13[%get3A_432, %get3A_433] {strides = array<i32>} : memref<640x128xf32, #tpu.memory_space<vmem>>, vector<1x16xf32>,
        %get3A_435 = vector.shape_cast %get3A_434 : vector<1x16xf32> to vector<16xf32>
        %mul3A_436 = arith.mulf %get3A_147, %get3A_435 : vector<16xf32>
        %add3A_437 = arith.addf %mul3A_429, %mul3A_436 : vector<16xf32>
        %add3A_438 = arith.constant 256 : i32
        %add3A_439 = arith.addi %add3A_438, %scan3A_140 : i32
        %get3A_440 = arith.index_cast %add3A_439 : i32 to index
        %get3A_441 = arith.constant 32 : index
        %get3A_442 = tpu.vector_load %arg13[%get3A_440, %get3A_441] {strides = array<i32>} : memref<640x128xf32, #tpu.memory_space<vmem>>, vector<1x16xf32>,
        %get3A_443 = vector.shape_cast %get3A_442 : vector<1x16xf32> to vector<16xf32>
        %mul3A_444 = arith.mulf %get3A_151, %get3A_443 : vector<16xf32>
        %add3A_445 = arith.addf %add3A_437, %mul3A_444 : vector<16xf32>
        %add3A_446 = arith.constant 256 : i32
        %add3A_447 = arith.addi %add3A_446, %scan3A_140 : i32
        %get3A_448 = arith.index_cast %add3A_447 : i32 to index
        %get3A_449 = arith.constant 48 : index
        %get3A_450 = tpu.vector_load %arg13[%get3A_448, %get3A_449] {strides = array<i32>} : memref<640x128xf32, #tpu.memory_space<vmem>>, vector<1x16xf32>,
        %get3A_451 = vector.shape_cast %get3A_450 : vector<1x16xf32> to vector<16xf32>
        %mul3A_452 = arith.mulf %get3A_155, %get3A_451 : vector<16xf32>
        %add3A_453 = arith.addf %add3A_445, %mul3A_452 : vector<16xf32>
        %eq3A_454 = arith.constant 3 : i32
        %eq3A_455 = vector.broadcast %eq3A_454 : i32 to vector<16xi32>
        %eq3A_456 = arith.cmpi eq, %iota3A, %eq3A_455 : vector<16xi32>
        %xor3A_457 = arith.constant 8 : i32
        %xor3A_458 = vector.broadcast %xor3A_457 : i32 to vector<16xi32>
        %xor3A_459 = arith.xori %iota3A, %xor3A_458 : vector<16xi32>
        %lt3A_460 = arith.constant 0 : i32
        %lt3A_461 = vector.broadcast %lt3A_460 : i32 to vector<16xi32>
        %lt3A_462 = arith.cmpi slt, %xor3A_459, %lt3A_461 : vector<16xi32>
        %add3A_463 = arith.constant 16 : i32
        %add3A_464 = vector.broadcast %add3A_463 : i32 to vector<16xi32>
        %add3A_465 = arith.addi %xor3A_459, %add3A_464 : vector<16xi32>
        %select_n3A_466 = arith.select %lt3A_462, %add3A_465, %xor3A_459 : vector<16xi1>, vector<16xi32>
        %broadcast_in_dim3A_467 = vector.shape_cast %select_n3A_466 : vector<16xi32> to vector<16x1xi32>
        %gather3A_468 = vector.shape_cast %broadcast_in_dim3A_467 : vector<16x1xi32> to vector<16xi32>
        %gather3A_469 = tpu.dynamic_gather %add3A_453[%gather3A_468] in [0] : vector<16xf32>, vector<16xi32> -> vector<16xf32>
        %add3A_470 = arith.addf %add3A_453, %gather3A_469 : vector<16xf32>
        %xor3A_471 = arith.constant 4 : i32
        %xor3A_472 = vector.broadcast %xor3A_471 : i32 to vector<16xi32>
        %xor3A_473 = arith.xori %iota3A, %xor3A_472 : vector<16xi32>
        %lt3A_474 = arith.constant 0 : i32
        %lt3A_475 = vector.broadcast %lt3A_474 : i32 to vector<16xi32>
        %lt3A_476 = arith.cmpi slt, %xor3A_473, %lt3A_475 : vector<16xi32>
        %add3A_477 = arith.constant 16 : i32
        %add3A_478 = vector.broadcast %add3A_477 : i32 to vector<16xi32>
        %add3A_479 = arith.addi %xor3A_473, %add3A_478 : vector<16xi32>
        %select_n3A_480 = arith.select %lt3A_476, %add3A_479, %xor3A_473 : vector<16xi1>, vector<16xi32>
        %broadcast_in_dim3A_481 = vector.shape_cast %select_n3A_480 : vector<16xi32> to vector<16x1xi32>
        %gather3A_482 = vector.shape_cast %broadcast_in_dim3A_481 : vector<16x1xi32> to vector<16xi32>
        %gather3A_483 = tpu.dynamic_gather %add3A_470[%gather3A_482] in [0] : vector<16xf32>, vector<16xi32> -> vector<16xf32>
        %add3A_484 = arith.addf %add3A_470, %gather3A_483 : vector<16xf32>
        %xor3A_485 = arith.constant 2 : i32
        %xor3A_486 = vector.broadcast %xor3A_485 : i32 to vector<16xi32>
        %xor3A_487 = arith.xori %iota3A, %xor3A_486 : vector<16xi32>
        %lt3A_488 = arith.constant 0 : i32
        %lt3A_489 = vector.broadcast %lt3A_488 : i32 to vector<16xi32>
        %lt3A_490 = arith.cmpi slt, %xor3A_487, %lt3A_489 : vector<16xi32>
        %add3A_491 = arith.constant 16 : i32
        %add3A_492 = vector.broadcast %add3A_491 : i32 to vector<16xi32>
        %add3A_493 = arith.addi %xor3A_487, %add3A_492 : vector<16xi32>
        %select_n3A_494 = arith.select %lt3A_490, %add3A_493, %xor3A_487 : vector<16xi1>, vector<16xi32>
        %broadcast_in_dim3A_495 = vector.shape_cast %select_n3A_494 : vector<16xi32> to vector<16x1xi32>
        %gather3A_496 = vector.shape_cast %broadcast_in_dim3A_495 : vector<16x1xi32> to vector<16xi32>
        %gather3A_497 = tpu.dynamic_gather %add3A_484[%gather3A_496] in [0] : vector<16xf32>, vector<16xi32> -> vector<16xf32>
        %add3A_498 = arith.addf %add3A_484, %gather3A_497 : vector<16xf32>
        %xor3A_499 = arith.constant 1 : i32
        %xor3A_500 = vector.broadcast %xor3A_499 : i32 to vector<16xi32>
        %xor3A_501 = arith.xori %iota3A, %xor3A_500 : vector<16xi32>
        %lt3A_502 = arith.constant 0 : i32
        %lt3A_503 = vector.broadcast %lt3A_502 : i32 to vector<16xi32>
        %lt3A_504 = arith.cmpi slt, %xor3A_501, %lt3A_503 : vector<16xi32>
        %add3A_505 = arith.constant 16 : i32
        %add3A_506 = vector.broadcast %add3A_505 : i32 to vector<16xi32>
        %add3A_507 = arith.addi %xor3A_501, %add3A_506 : vector<16xi32>
        %select_n3A_508 = arith.select %lt3A_504, %add3A_507, %xor3A_501 : vector<16xi1>, vector<16xi32>
        %broadcast_in_dim3A_509 = vector.shape_cast %select_n3A_508 : vector<16xi32> to vector<16x1xi32>
        %gather3A_510 = vector.shape_cast %broadcast_in_dim3A_509 : vector<16x1xi32> to vector<16xi32>
        %gather3A_511 = tpu.dynamic_gather %add3A_498[%gather3A_510] in [0] : vector<16xf32>, vector<16xi32> -> vector<16xf32>
        %add3A_512 = arith.addf %add3A_498, %gather3A_511 : vector<16xf32>
        %neg3A_513 = arith.constant 0.000000e+00 : f32
        %neg3A_514 = vector.broadcast %neg3A_513 : f32 to vector<16xf32>
        %neg3A_515 = arith.subf %neg3A_514, %add3A_512 : vector<16xf32>
        %select_n3A_516 = arith.select %eq3A_456, %neg3A_515, %select_n3A_422 : vector<16xi1>, vector<16xf32>
        %add3A_517 = arith.constant 384 : i32
        %add3A_518 = arith.addi %add3A_517, %scan3A_140 : i32
        %get3A_519 = arith.index_cast %add3A_518 : i32 to index
        %get3A_520 = arith.constant 0 : index
        %get3A_521 = tpu.vector_load %arg13[%get3A_519, %get3A_520] {strides = array<i32>} : memref<640x128xf32, #tpu.memory_space<vmem>>, vector<1x16xf32>,
        %get3A_522 = vector.shape_cast %get3A_521 : vector<1x16xf32> to vector<16xf32>
        %mul3A_523 = arith.mulf %get3A_143, %get3A_522 : vector<16xf32>
        %add3A_524 = arith.constant 384 : i32
        %add3A_525 = arith.addi %add3A_524, %scan3A_140 : i32
        %get3A_526 = arith.index_cast %add3A_525 : i32 to index
        %get3A_527 = arith.constant 16 : index
        %get3A_528 = tpu.vector_load %arg13[%get3A_526, %get3A_527] {strides = array<i32>} : memref<640x128xf32, #tpu.memory_space<vmem>>, vector<1x16xf32>,
        %get3A_529 = vector.shape_cast %get3A_528 : vector<1x16xf32> to vector<16xf32>
        %mul3A_530 = arith.mulf %get3A_147, %get3A_529 : vector<16xf32>
        %add3A_531 = arith.addf %mul3A_523, %mul3A_530 : vector<16xf32>
        %add3A_532 = arith.constant 384 : i32
        %add3A_533 = arith.addi %add3A_532, %scan3A_140 : i32
        %get3A_534 = arith.index_cast %add3A_533 : i32 to index
        %get3A_535 = arith.constant 32 : index
        %get3A_536 = tpu.vector_load %arg13[%get3A_534, %get3A_535] {strides = array<i32>} : memref<640x128xf32, #tpu.memory_space<vmem>>, vector<1x16xf32>,
        %get3A_537 = vector.shape_cast %get3A_536 : vector<1x16xf32> to vector<16xf32>
        %mul3A_538 = arith.mulf %get3A_151, %get3A_537 : vector<16xf32>
        %add3A_539 = arith.addf %add3A_531, %mul3A_538 : vector<16xf32>
        %add3A_540 = arith.constant 384 : i32
        %add3A_541 = arith.addi %add3A_540, %scan3A_140 : i32
        %get3A_542 = arith.index_cast %add3A_541 : i32 to index
        %get3A_543 = arith.constant 48 : index
        %get3A_544 = tpu.vector_load %arg13[%get3A_542, %get3A_543] {strides = array<i32>} : memref<640x128xf32, #tpu.memory_space<vmem>>, vector<1x16xf32>,
        %get3A_545 = vector.shape_cast %get3A_544 : vector<1x16xf32> to vector<16xf32>
        %mul3A_546 = arith.mulf %get3A_155, %get3A_545 : vector<16xf32>
        %add3A_547 = arith.addf %add3A_539, %mul3A_546 : vector<16xf32>
        %eq3A_548 = arith.constant 4 : i32
        %eq3A_549 = vector.broadcast %eq3A_548 : i32 to vector<16xi32>
        %eq3A_550 = arith.cmpi eq, %iota3A, %eq3A_549 : vector<16xi32>
        %xor3A_551 = arith.constant 8 : i32
        %xor3A_552 = vector.broadcast %xor3A_551 : i32 to vector<16xi32>
        %xor3A_553 = arith.xori %iota3A, %xor3A_552 : vector<16xi32>
        %lt3A_554 = arith.constant 0 : i32
        %lt3A_555 = vector.broadcast %lt3A_554 : i32 to vector<16xi32>
        %lt3A_556 = arith.cmpi slt, %xor3A_553, %lt3A_555 : vector<16xi32>
        %add3A_557 = arith.constant 16 : i32
        %add3A_558 = vector.broadcast %add3A_557 : i32 to vector<16xi32>
        %add3A_559 = arith.addi %xor3A_553, %add3A_558 : vector<16xi32>
        %select_n3A_560 = arith.select %lt3A_556, %add3A_559, %xor3A_553 : vector<16xi1>, vector<16xi32>
        %broadcast_in_dim3A_561 = vector.shape_cast %select_n3A_560 : vector<16xi32> to vector<16x1xi32>
        %gather3A_562 = vector.shape_cast %broadcast_in_dim3A_561 : vector<16x1xi32> to vector<16xi32>
        %gather3A_563 = tpu.dynamic_gather %add3A_547[%gather3A_562] in [0] : vector<16xf32>, vector<16xi32> -> vector<16xf32>
        %add3A_564 = arith.addf %add3A_547, %gather3A_563 : vector<16xf32>
        %xor3A_565 = arith.constant 4 : i32
        %xor3A_566 = vector.broadcast %xor3A_565 : i32 to vector<16xi32>
        %xor3A_567 = arith.xori %iota3A, %xor3A_566 : vector<16xi32>
        %lt3A_568 = arith.constant 0 : i32
        %lt3A_569 = vector.broadcast %lt3A_568 : i32 to vector<16xi32>
        %lt3A_570 = arith.cmpi slt, %xor3A_567, %lt3A_569 : vector<16xi32>
        %add3A_571 = arith.constant 16 : i32
        %add3A_572 = vector.broadcast %add3A_571 : i32 to vector<16xi32>
        %add3A_573 = arith.addi %xor3A_567, %add3A_572 : vector<16xi32>
        %select_n3A_574 = arith.select %lt3A_570, %add3A_573, %xor3A_567 : vector<16xi1>, vector<16xi32>
        %broadcast_in_dim3A_575 = vector.shape_cast %select_n3A_574 : vector<16xi32> to vector<16x1xi32>
        %gather3A_576 = vector.shape_cast %broadcast_in_dim3A_575 : vector<16x1xi32> to vector<16xi32>
        %gather3A_577 = tpu.dynamic_gather %add3A_564[%gather3A_576] in [0] : vector<16xf32>, vector<16xi32> -> vector<16xf32>
        %add3A_578 = arith.addf %add3A_564, %gather3A_577 : vector<16xf32>
        %xor3A_579 = arith.constant 2 : i32
        %xor3A_580 = vector.broadcast %xor3A_579 : i32 to vector<16xi32>
        %xor3A_581 = arith.xori %iota3A, %xor3A_580 : vector<16xi32>
        %lt3A_582 = arith.constant 0 : i32
        %lt3A_583 = vector.broadcast %lt3A_582 : i32 to vector<16xi32>
        %lt3A_584 = arith.cmpi slt, %xor3A_581, %lt3A_583 : vector<16xi32>
        %add3A_585 = arith.constant 16 : i32
        %add3A_586 = vector.broadcast %add3A_585 : i32 to vector<16xi32>
        %add3A_587 = arith.addi %xor3A_581, %add3A_586 : vector<16xi32>
        %select_n3A_588 = arith.select %lt3A_584, %add3A_587, %xor3A_581 : vector<16xi1>, vector<16xi32>
        %broadcast_in_dim3A_589 = vector.shape_cast %select_n3A_588 : vector<16xi32> to vector<16x1xi32>
        %gather3A_590 = vector.shape_cast %broadcast_in_dim3A_589 : vector<16x1xi32> to vector<16xi32>
        %gather3A_591 = tpu.dynamic_gather %add3A_578[%gather3A_590] in [0] : vector<16xf32>, vector<16xi32> -> vector<16xf32>
        %add3A_592 = arith.addf %add3A_578, %gather3A_591 : vector<16xf32>
        %xor3A_593 = arith.constant 1 : i32
        %xor3A_594 = vector.broadcast %xor3A_593 : i32 to vector<16xi32>
        %xor3A_595 = arith.xori %iota3A, %xor3A_594 : vector<16xi32>
        %lt3A_596 = arith.constant 0 : i32
        %lt3A_597 = vector.broadcast %lt3A_596 : i32 to vector<16xi32>
        %lt3A_598 = arith.cmpi slt, %xor3A_595, %lt3A_597 : vector<16xi32>
        %add3A_599 = arith.constant 16 : i32
        %add3A_600 = vector.broadcast %add3A_599 : i32 to vector<16xi32>
        %add3A_601 = arith.addi %xor3A_595, %add3A_600 : vector<16xi32>
        %select_n3A_602 = arith.select %lt3A_598, %add3A_601, %xor3A_595 : vector<16xi1>, vector<16xi32>
        %broadcast_in_dim3A_603 = vector.shape_cast %select_n3A_602 : vector<16xi32> to vector<16x1xi32>
        %gather3A_604 = vector.shape_cast %broadcast_in_dim3A_603 : vector<16x1xi32> to vector<16xi32>
        %gather3A_605 = tpu.dynamic_gather %add3A_592[%gather3A_604] in [0] : vector<16xf32>, vector<16xi32> -> vector<16xf32>
        %add3A_606 = arith.addf %add3A_592, %gather3A_605 : vector<16xf32>
        %neg3A_607 = arith.constant 0.000000e+00 : f32
        %neg3A_608 = vector.broadcast %neg3A_607 : f32 to vector<16xf32>
        %neg3A_609 = arith.subf %neg3A_608, %add3A_606 : vector<16xf32>
        %select_n3A_610 = arith.select %eq3A_550, %neg3A_609, %select_n3A_516 : vector<16xi1>, vector<16xf32>
        %add3A_611 = arith.constant 512 : i32
        %add3A_612 = arith.addi %add3A_611, %scan3A_140 : i32
        %get3A_613 = arith.index_cast %add3A_612 : i32 to index
        %get3A_614 = arith.constant 0 : index
        %get3A_615 = tpu.vector_load %arg13[%get3A_613, %get3A_614] {strides = array<i32>} : memref<640x128xf32, #tpu.memory_space<vmem>>, vector<1x16xf32>,
        %get3A_616 = vector.shape_cast %get3A_615 : vector<1x16xf32> to vector<16xf32>
        %mul3A_617 = arith.mulf %get3A_143, %get3A_616 : vector<16xf32>
        %add3A_618 = arith.constant 512 : i32
        %add3A_619 = arith.addi %add3A_618, %scan3A_140 : i32
        %get3A_620 = arith.index_cast %add3A_619 : i32 to index
        %get3A_621 = arith.constant 16 : index
        %get3A_622 = tpu.vector_load %arg13[%get3A_620, %get3A_621] {strides = array<i32>} : memref<640x128xf32, #tpu.memory_space<vmem>>, vector<1x16xf32>,
        %get3A_623 = vector.shape_cast %get3A_622 : vector<1x16xf32> to vector<16xf32>
        %mul3A_624 = arith.mulf %get3A_147, %get3A_623 : vector<16xf32>
        %add3A_625 = arith.addf %mul3A_617, %mul3A_624 : vector<16xf32>
        %add3A_626 = arith.constant 512 : i32
        %add3A_627 = arith.addi %add3A_626, %scan3A_140 : i32
        %get3A_628 = arith.index_cast %add3A_627 : i32 to index
        %get3A_629 = arith.constant 32 : index
        %get3A_630 = tpu.vector_load %arg13[%get3A_628, %get3A_629] {strides = array<i32>} : memref<640x128xf32, #tpu.memory_space<vmem>>, vector<1x16xf32>,
        %get3A_631 = vector.shape_cast %get3A_630 : vector<1x16xf32> to vector<16xf32>
        %mul3A_632 = arith.mulf %get3A_151, %get3A_631 : vector<16xf32>
        %add3A_633 = arith.addf %add3A_625, %mul3A_632 : vector<16xf32>
        %add3A_634 = arith.constant 512 : i32
        %add3A_635 = arith.addi %add3A_634, %scan3A_140 : i32
        %get3A_636 = arith.index_cast %add3A_635 : i32 to index
        %get3A_637 = arith.constant 48 : index
        %get3A_638 = tpu.vector_load %arg13[%get3A_636, %get3A_637] {strides = array<i32>} : memref<640x128xf32, #tpu.memory_space<vmem>>, vector<1x16xf32>,
        %get3A_639 = vector.shape_cast %get3A_638 : vector<1x16xf32> to vector<16xf32>
        %mul3A_640 = arith.mulf %get3A_155, %get3A_639 : vector<16xf32>
        %add3A_641 = arith.addf %add3A_633, %mul3A_640 : vector<16xf32>
        %eq3A_642 = arith.constant 5 : i32
        %eq3A_643 = vector.broadcast %eq3A_642 : i32 to vector<16xi32>
        %eq3A_644 = arith.cmpi eq, %iota3A, %eq3A_643 : vector<16xi32>
        %xor3A_645 = arith.constant 8 : i32
        %xor3A_646 = vector.broadcast %xor3A_645 : i32 to vector<16xi32>
        %xor3A_647 = arith.xori %iota3A, %xor3A_646 : vector<16xi32>
        %lt3A_648 = arith.constant 0 : i32
        %lt3A_649 = vector.broadcast %lt3A_648 : i32 to vector<16xi32>
        %lt3A_650 = arith.cmpi slt, %xor3A_647, %lt3A_649 : vector<16xi32>
        %add3A_651 = arith.constant 16 : i32
        %add3A_652 = vector.broadcast %add3A_651 : i32 to vector<16xi32>
        %add3A_653 = arith.addi %xor3A_647, %add3A_652 : vector<16xi32>
        %select_n3A_654 = arith.select %lt3A_650, %add3A_653, %xor3A_647 : vector<16xi1>, vector<16xi32>
        %broadcast_in_dim3A_655 = vector.shape_cast %select_n3A_654 : vector<16xi32> to vector<16x1xi32>
        %gather3A_656 = vector.shape_cast %broadcast_in_dim3A_655 : vector<16x1xi32> to vector<16xi32>
        %gather3A_657 = tpu.dynamic_gather %add3A_641[%gather3A_656] in [0] : vector<16xf32>, vector<16xi32> -> vector<16xf32>
        %add3A_658 = arith.addf %add3A_641, %gather3A_657 : vector<16xf32>
        %xor3A_659 = arith.constant 4 : i32
        %xor3A_660 = vector.broadcast %xor3A_659 : i32 to vector<16xi32>
        %xor3A_661 = arith.xori %iota3A, %xor3A_660 : vector<16xi32>
        %lt3A_662 = arith.constant 0 : i32
        %lt3A_663 = vector.broadcast %lt3A_662 : i32 to vector<16xi32>
        %lt3A_664 = arith.cmpi slt, %xor3A_661, %lt3A_663 : vector<16xi32>
        %add3A_665 = arith.constant 16 : i32
        %add3A_666 = vector.broadcast %add3A_665 : i32 to vector<16xi32>
        %add3A_667 = arith.addi %xor3A_661, %add3A_666 : vector<16xi32>
        %select_n3A_668 = arith.select %lt3A_664, %add3A_667, %xor3A_661 : vector<16xi1>, vector<16xi32>
        %broadcast_in_dim3A_669 = vector.shape_cast %select_n3A_668 : vector<16xi32> to vector<16x1xi32>
        %gather3A_670 = vector.shape_cast %broadcast_in_dim3A_669 : vector<16x1xi32> to vector<16xi32>
        %gather3A_671 = tpu.dynamic_gather %add3A_658[%gather3A_670] in [0] : vector<16xf32>, vector<16xi32> -> vector<16xf32>
        %add3A_672 = arith.addf %add3A_658, %gather3A_671 : vector<16xf32>
        %xor3A_673 = arith.constant 2 : i32
        %xor3A_674 = vector.broadcast %xor3A_673 : i32 to vector<16xi32>
        %xor3A_675 = arith.xori %iota3A, %xor3A_674 : vector<16xi32>
        %lt3A_676 = arith.constant 0 : i32
        %lt3A_677 = vector.broadcast %lt3A_676 : i32 to vector<16xi32>
        %lt3A_678 = arith.cmpi slt, %xor3A_675, %lt3A_677 : vector<16xi32>
        %add3A_679 = arith.constant 16 : i32
        %add3A_680 = vector.broadcast %add3A_679 : i32 to vector<16xi32>
        %add3A_681 = arith.addi %xor3A_675, %add3A_680 : vector<16xi32>
        %select_n3A_682 = arith.select %lt3A_678, %add3A_681, %xor3A_675 : vector<16xi1>, vector<16xi32>
        %broadcast_in_dim3A_683 = vector.shape_cast %select_n3A_682 : vector<16xi32> to vector<16x1xi32>
        %gather3A_684 = vector.shape_cast %broadcast_in_dim3A_683 : vector<16x1xi32> to vector<16xi32>
        %gather3A_685 = tpu.dynamic_gather %add3A_672[%gather3A_684] in [0] : vector<16xf32>, vector<16xi32> -> vector<16xf32>
        %add3A_686 = arith.addf %add3A_672, %gather3A_685 : vector<16xf32>
        %xor3A_687 = arith.constant 1 : i32
        %xor3A_688 = vector.broadcast %xor3A_687 : i32 to vector<16xi32>
        %xor3A_689 = arith.xori %iota3A, %xor3A_688 : vector<16xi32>
        %lt3A_690 = arith.constant 0 : i32
        %lt3A_691 = vector.broadcast %lt3A_690 : i32 to vector<16xi32>
        %lt3A_692 = arith.cmpi slt, %xor3A_689, %lt3A_691 : vector<16xi32>
        %add3A_693 = arith.constant 16 : i32
        %add3A_694 = vector.broadcast %add3A_693 : i32 to vector<16xi32>
        %add3A_695 = arith.addi %xor3A_689, %add3A_694 : vector<16xi32>
        %select_n3A_696 = arith.select %lt3A_692, %add3A_695, %xor3A_689 : vector<16xi1>, vector<16xi32>
        %broadcast_in_dim3A_697 = vector.shape_cast %select_n3A_696 : vector<16xi32> to vector<16x1xi32>
        %gather3A_698 = vector.shape_cast %broadcast_in_dim3A_697 : vector<16x1xi32> to vector<16xi32>
        %gather3A_699 = tpu.dynamic_gather %add3A_686[%gather3A_698] in [0] : vector<16xf32>, vector<16xi32> -> vector<16xf32>
        %add3A_700 = arith.addf %add3A_686, %gather3A_699 : vector<16xf32>
        %neg3A_701 = arith.constant 0.000000e+00 : f32
        %neg3A_702 = vector.broadcast %neg3A_701 : f32 to vector<16xf32>
        %neg3A_703 = arith.subf %neg3A_702, %add3A_700 : vector<16xf32>
        %select_n3A_704 = arith.select %eq3A_644, %neg3A_703, %select_n3A_610 : vector<16xi1>, vector<16xf32>
        %jit3A_705 = arith.constant 8 : i32
        %div3A_706 = arith.divsi %scan3A_140, %jit3A_705 : i32
        %sign3A_707 = arith.constant 0 : i32
        %sign3A_708 = arith.cmpi sgt, %scan3A_140, %sign3A_707 : i32
        %sign3A_709 = arith.extui %sign3A_708 : i1 to i32
        %sign3A_710 = arith.constant 0 : i32
        %sign3A_711 = arith.cmpi slt, %scan3A_140, %sign3A_710 : i32
        %sign3A_712 = arith.extui %sign3A_711 : i1 to i32
        %sign3A_713 = arith.subi %sign3A_709, %sign3A_712 : i32
        %sign3A_714 = arith.constant 0 : i32
        %sign3A_715 = arith.cmpi sgt, %jit3A_705, %sign3A_714 : i32
        %sign3A_716 = arith.extui %sign3A_715 : i1 to i32
        %sign3A_717 = arith.constant 0 : i32
        %sign3A_718 = arith.cmpi slt, %jit3A_705, %sign3A_717 : i32
        %sign3A_719 = arith.extui %sign3A_718 : i1 to i32
        %sign3A_720 = arith.subi %sign3A_716, %sign3A_719 : i32
        %ne3A_721 = arith.cmpi ne, %sign3A_713, %sign3A_720 : i32
        %rem3A_722 = arith.remsi %scan3A_140, %jit3A_705 : i32
        %ne3A_723 = arith.constant 0 : i32
        %ne3A_724 = arith.cmpi ne, %rem3A_722, %ne3A_723 : i32
        %and3A_725 = arith.andi %ne3A_721, %ne3A_724 : i1
        %sub3A_726 = arith.constant 1 : i32
        %sub3A_727 = arith.subi %div3A_706, %sub3A_726 : i32
        %select_n3A_728 = arith.select %and3A_725, %sub3A_727, %div3A_706 : i32
        %jit3A_729 = arith.constant 8 : i32
        %eq3A_730 = arith.constant 0 : i32
        %eq3A_731 = arith.cmpi eq, %jit3A_729, %eq3A_730 : i32
        %jit3A_732 = arith.constant 1 : i32
        %select_n3A_733 = arith.select %eq3A_731, %jit3A_732, %jit3A_729 : i32
        %rem3A_734 = arith.remsi %scan3A_140, %select_n3A_733 : i32
        %ne3A_735 = arith.constant 0 : i32
        %ne3A_736 = arith.cmpi ne, %rem3A_734, %ne3A_735 : i32
        %lt3A_737 = arith.constant 0 : i32
        %lt3A_738 = arith.cmpi slt, %rem3A_734, %lt3A_737 : i32
        %lt3A_739 = arith.constant 0 : i32
        %lt3A_740 = arith.cmpi slt, %select_n3A_733, %lt3A_739 : i32
        %ne3A_741 = arith.xori %lt3A_738, %lt3A_740 : i1
        %and3A_742 = arith.andi %ne3A_741, %ne3A_736 : i1
        %add3A_743 = arith.addi %rem3A_734, %select_n3A_733 : i32
        %select_n3A_744 = arith.select %and3A_742, %add3A_743, %rem3A_734 : i32
        %mul3A_745 = arith.constant 16 : i32
        %mul3A_746 = arith.muli %select_n3A_744, %mul3A_745 : i32
        %swap3A = arith.index_cast %select_n3A_728 : i32 to index
        %swap3A_747 = arith.index_cast %mul3A_746 : i32 to index
        %swap3A_748 = tpu.vector_load %arg14[%swap3A, %swap3A_747] {strides = array<i32>} : memref<16x128xf32, #tpu.memory_space<vmem>>, vector<1x16xf32>,
        %swap3A_749 = vector.shape_cast %swap3A_748 : vector<1x16xf32> to vector<16xf32>
        %swap3A_750 = vector.shape_cast %select_n3A_704 : vector<16xf32> to vector<1x16xf32>
        tpu.vector_store %arg14[%swap3A, %swap3A_747], %swap3A_750 {strides = array<i32>} : memref<16x128xf32, #tpu.memory_space<vmem>>, vector<1x16xf32>,
      }
      %scan3A_121 = arith.constant 128 : i32
      %jit3A_122 = arith.constant 8 : i32
      %div3A = arith.divsi %add3A_15, %jit3A_122 : i32
      %sign3A = arith.constant 0 : i32
      %sign3A_123 = arith.cmpi sgt, %add3A_15, %sign3A : i32
      %sign3A_124 = arith.extui %sign3A_123 : i1 to i32
      %sign3A_125 = arith.constant 0 : i32
      %sign3A_126 = arith.cmpi slt, %add3A_15, %sign3A_125 : i32
      %sign3A_127 = arith.extui %sign3A_126 : i1 to i32
      %sign3A_128 = arith.subi %sign3A_124, %sign3A_127 : i32
      %sign3A_129 = arith.constant 0 : i32
      %sign3A_130 = arith.cmpi sgt, %jit3A_122, %sign3A_129 : i32
      %sign3A_131 = arith.extui %sign3A_130 : i1 to i32
      %sign3A_132 = arith.constant 0 : i32
      %sign3A_133 = arith.cmpi slt, %jit3A_122, %sign3A_132 : i32
      %sign3A_134 = arith.extui %sign3A_133 : i1 to i32
      %sign3A_135 = arith.subi %sign3A_131, %sign3A_134 : i32
      %ne3A = arith.cmpi ne, %sign3A_128, %sign3A_135 : i32
      %rem3A = arith.remsi %add3A_15, %jit3A_122 : i32
      %ne3A_136 = arith.constant 0 : i32
      %ne3A_137 = arith.cmpi ne, %rem3A, %ne3A_136 : i32
      %and3A = arith.andi %ne3A, %ne3A_137 : i1
      %sub3A = arith.constant 1 : i32
      %sub3A_138 = arith.subi %div3A, %sub3A : i32
      %select_n3A_139 = arith.select %and3A, %sub3A_138, %div3A : i32
      %multiple_of3A = tpu.assume_multiple %select_n3A_139, 8 : i32
      "tpu.region"() ({
        %run_scoped3A = tpu.sem_alloc : memref<!tpu.dma_semaphore, #tpu.memory_space<semaphore_mem>>
        %dma_start3A_140 = arith.constant 0 : i32
        %dma_start3A_141 = tpu.memref_slice %arg7[%multiple_of3A, %dma_start3A_140] : memref<2048x128xf32, #tpu.memory_space<hbm>> -> memref<16x128xf32, #tpu.memory_space<hbm>>
        %dma_start3A_142 = arith.constant 0 : i32
        %dma_start3A_143 = tpu.memref_slice %arg7[%multiple_of3A, %dma_start3A_142] : memref<2048x128xf32, #tpu.memory_space<hbm>> -> memref<16x128xf32, #tpu.memory_space<hbm>>
        tpu.enqueue_dma source(%arg14 : memref<16x128xf32, #tpu.memory_space<vmem>>) target(%dma_start3A_143 : memref<16x128xf32, #tpu.memory_space<hbm>>) target_semaphore(%run_scoped3A : memref<!tpu.dma_semaphore, #tpu.memory_space<semaphore_mem>>)
        %dma_wait3A_144 = arith.constant 0 : i32
        %dma_wait3A_145 = tpu.memref_slice %arg7[%multiple_of3A, %dma_wait3A_144] : memref<2048x128xf32, #tpu.memory_space<hbm>> -> memref<16x128xf32, #tpu.memory_space<hbm>>
        %dma_wait3A_146 = arith.constant 0 : i32
        %dma_wait3A_147 = tpu.memref_slice %arg7[%multiple_of3A, %dma_wait3A_146] : memref<2048x128xf32, #tpu.memory_space<hbm>> -> memref<16x128xf32, #tpu.memory_space<hbm>>
        tpu.wait_dma2 semaphore(%run_scoped3A : memref<!tpu.dma_semaphore, #tpu.memory_space<semaphore_mem>>) src(%arg14 : memref<16x128xf32, #tpu.memory_space<vmem>>) dst(%dma_wait3A_147 : memref<16x128xf32, #tpu.memory_space<hbm>>)
        tpu.yield
      }) : () -> ()
    }
    %scan3A_9 = arith.constant 4 : i32
    return
  }
}

module attributes {stable_mosaic.version = 14 : i64} {
  func.func @body(%arg0: memref<2048x128xf32, #tpu.memory_space<vmem>>, %arg1: memref<1x1xf32, #tpu.memory_space<smem>>) attributes {dimension_semantics = [], scalar_prefetch = 0 : i64, scratch_operands = 0 : i64, tpu.core_type = #tpu.core_type<tc>} {
    %get3A = arith.constant 0 : index
    %get3A_0 = arith.constant 0 : index
    %get3A_1 = vector.load %arg0[%get3A, %get3A_0] : memref<2048x128xf32, #tpu.memory_space<vmem>>, vector<2048x128xf32>
    %min3A = arith.constant 0.000000e+00 : f32
    %min3A_2 = vector.broadcast %min3A : f32 to vector<2048x128xf32>
    %min3A_3 = arith.minimumf %get3A_1, %min3A_2 : vector<2048x128xf32>
    %abs3A = math.absf %get3A_1 : vector<2048x128xf32>
    %neg3A = arith.constant 0.000000e+00 : f32
    %neg3A_4 = vector.broadcast %neg3A : f32 to vector<2048x128xf32>
    %neg3A_5 = arith.subf %neg3A_4, %abs3A : vector<2048x128xf32>
    %exp3A = math.exp %neg3A_5 : vector<2048x128xf32>
    %log1p3A = math.log1p %exp3A : vector<2048x128xf32>
    %sub3A = arith.subf %min3A_3, %log1p3A : vector<2048x128xf32>
    %reduce_sum3A = vector.shape_cast %sub3A : vector<2048x128xf32> to vector<1x2048x128xf32>
    %reduce_sum3A_6 = arith.constant dense<0.000000e+00> : vector<1xf32>
    %reduce_sum3A_7 = vector.multi_reduction <add>, %reduce_sum3A, %reduce_sum3A_6 [1, 2] : vector<1x2048x128xf32> to vector<1xf32>
    %reduce_sum3A_8 = vector.shape_cast %reduce_sum3A_7 : vector<1xf32> to vector<1x1x1xf32>
    %reduce_sum3A_9 = vector.extract %reduce_sum3A_8[0, 0, 0] : f32 from vector<1x1x1xf32>
    %neg3A_10 = arith.constant 0.000000e+00 : f32
    %neg3A_11 = arith.subf %neg3A_10, %reduce_sum3A_9 : f32
    %div3A = arith.constant 1.638400e+04 : f32
    %div3A_12 = arith.divf %neg3A_11, %div3A : f32
    %swap3A = arith.constant 0 : index
    %swap3A_13 = arith.constant 0 : index
    %swap3A_14 = memref.load %arg1[%swap3A, %swap3A_13] : memref<1x1xf32, #tpu.memory_space<smem>>
    memref.store %div3A_12, %arg1[%swap3A, %swap3A_13] : memref<1x1xf32, #tpu.memory_space<smem>>
    return
  }
}

</mosaic_0001>

<sc_bundles>
// kernel: kernel.4.cloned.1.call-start
scs
__scs_entry_jumppad:
0x0: {  	(pc) =	sbr.rel $0x88, $3  }
0x1: {  	(tag) =	ssettag $0x0;
	lr =	simm.s32 $0x1  }
0x2: {  	[smem:$0x3F9C] =	sst lr;
	_ =	strace $0xD0000000  }
0x3: {  	_ = 	snop  }
0x4: {  	_ = 	snop  }
0x5: {  	_ = 	snop  }
0x6: {  	_ = 	snop  }
0x7: {  	_ = 	snop  }
__scs_overlays_trampoline_lowered:
0x8: {  	[smem:$0x3FAB] =	sst s0  }
0x9: {  	[smem:$0x3FAC] =	sst s1  }
0xa: {  	[smem:$0x3FAD] =	sst s2  }
0xb: {  	[smem:$0x3FAE] =	sst s3  }
0xc: {  	[smem:$0x3FAF] =	sst s4  }
0xd: {  	[smem:$0x3FB0] =	sst s5  }
0xe: {  	[smem:$0x3FB1] =	sst s6  }
0xf: {  	[smem:$0x3FB2] =	sst s7  }
0x10: {  	[smem:$0x3FB3] =	sst s8  }
0x11: {  	[smem:$0x3FB4] =	sst s9;
	s0 =	simm.s32 @!p0 $0x0  }
0x12: {  	s1 =	sld [smem:$0x3F9A];
	s0 =	simm.s32 @p0 $0x1  }
0x13: {  	[smem:$0x3FB5] =	sst s0;
	s0 =	simm.s32 @!p1 $0x0  }
0x14: {  	s2 =	sld [smem:$0x3F99];
	s0 =	simm.s32 @p1 $0x1  }
0x15: {  	[smem:$0x3FB6] =	sst s0;
	s0 =	simm.s32 @!p2 $0x0  }
0x16: {  	s3 =	sld [smem:$0x3FDB];
	s0 =	simm.s32 @p2 $0x1  }
0x17: {  	s4 =	simm.s32 $0x1BF5;
	[smem:$0x3FB8] =	sst s0  }
0x18: {  	s0 =	sld [smem:$0x3F9B];
	_ =	swait.ge [sflag:s4], $0x0  }
0x19: {  	s7 =	sld [smem:$0x3F9C]  }
0x1a: {  	s8 =	sadd.s32 $0xFFFFE003, lr  }
0x1b: {  	s9 =	sadd.s32 $0xFFFFFEF7, lr;
	s5 =	simm.s32 $0xFFFFFFFF;
	p2 =	slt.u32 s8, $0xFFFFF086  }
0x1c: {  	p1 =	slt.u32 s9, $0xF7A;
	s5 =	simm.s32 @!p2 $0x0  }
0x1d: {  	s5 =	simm.s32 @p1 $0x1;
	p0 =	seq.s32 s7, s2  }
0x1e: {  	s7 =	smul.u32 @!p0 $0xF7A, s2;
	p2 =	seq.s32 @!p0 s5, $0x0  }
0x1f: {  	s9 =	smul.u32 $0xF7A, s1;
	s8 =	simm.s32 @!p0 $0x1BF5;
	p2 =	por !p2, p0  }
0x20: {  	[sflag:s8] =	ssyncset.s32 @!p0 $0xFFFFF086;
	s6 =	sadd.s32 @!p0 s3, s7;
	s7 =	simm.s32 @!p0 $0x108  }
0x21: {  	s3 =	sadd.s32 s3, s9;
	s6 =	sadd.s32 @!p0 $0x88, s6;
	s7 =	simm.s32 @p2 $0x1082  }
0x22: {  	[simem:s7], [sflag:s8] =	dma.local @!p0 [hbm:s6], $0xF7A  }
0x23: {  	s9 =	sor.u32 $0xD0000000, s2;
	s6 =	simm.s32 $0x108;
	_ =	swait.ge @!p0 [sflag:s8], $0x0  }
0x24: {  	s3 =	sadd.s32 $0x88, s3;
	s6 =	simm.s32 @!p1 $0x1082;
	[sflag:s4] =	ssyncset.s32 $0xFFFFF086  }
0x25: {  	[simem:s6], [sflag:s4] =	dma.local [hbm:s3], $0xF7A  }
0x26: {  	[smem:$0x3F9C] =	sst s1;
	(tag) =	ssettag s2;
	_ =	strace s9  }
0x27: {  	s1 =	sld [smem:$0x3FAC]  }
0x28: {  	s2 =	sld [smem:$0x3FAD]  }
0x29: {  	s4 =	sld [smem:$0x3FAF]  }
0x2a: {  	p0 =	seq.s32 s5, $0x0;
	s5 =	sld [smem:$0x3FB0]  }
0x2b: {  	s6 =	sld [smem:$0x3FB1]  }
0x2c: {  	s7 =	sld [smem:$0x3FB2]  }
0x2d: {  	s3 =	simm.s32 $0x108;
	s8 =	sld [smem:$0x3FB3]  }
0x2e: {  	s3 =	simm.s32 @!p0 $0x1082;
	s9 =	sld [smem:$0x3FB4]  }
0x2f: {  	lr =	sadd.s32 s0, s3;
	s0 =	sld [smem:$0x3FAB]  }
0x30: {  	s3 =	sld [smem:$0x3FAE]  }
0x31: {  	[smem:$0x3FB7] =	sst s10  }
0x32: {  	s10 =	sld [smem:$0x3FB5];
	_ =	sdelay $0x3  }
0x33: {  	p0 =	seq.s32 s10, $0x1;
	s10 =	sld [smem:$0x3FB7];
	_ =	sdelay $0x3  }
0x34: {  	[smem:$0x3FB7] =	sst s10  }
0x35: {  	s10 =	sld [smem:$0x3FB6];
	_ =	sdelay $0x3  }
0x36: {  	p1 =	seq.s32 s10, $0x1;
	s10 =	sld [smem:$0x3FB7];
	_ =	sdelay $0x3  }
0x37: {  	[smem:$0x3FB7] =	sst s10  }
0x38: {  	s10 =	sld [smem:$0x3FB8]  }
0x39: {  	_ = 	snop;
	(pc) =	sbr.ind lr, $3  }
0x3a: {  	_ = 	snop  }
0x3b: {  	_ = 	snop  }
0x3c: {  	p2 =	seq.s32 s10, $0x1;
	s10 =	sld [smem:$0x3FB7]  }
0x3d: {  	_ =	shalt  }
0x3e: {  	_ =	shalt  }
0x3f: {  	_ =	shalt  }
0x40: {  	_ =	shalt  }
0x41: {  	_ =	shalt  }
0x42: {  	_ =	shalt  }
0x43: {  	_ =	shalt  }
0x44: {  	_ =	shalt  }
0x45: {  	_ =	shalt  }
0x46: {  	_ =	shalt  }
0x47: {  	_ =	shalt  }
0x48: {  	_ =	shalt  }
0x49: {  	_ =	shalt  }
0x4a: {  	_ =	shalt  }
0x4b: {  	_ =	shalt  }
0x4c: {  	_ =	shalt  }
0x4d: {  	_ =	shalt  }
0x4e: {  	_ =	shalt  }
0x4f: {  	_ =	shalt  }
0x50: {  	_ =	shalt  }
0x51: {  	_ =	shalt  }
0x52: {  	_ =	shalt  }
0x53: {  	_ =	shalt  }
0x54: {  	_ =	shalt  }
0x55: {  	_ =	shalt  }
0x56: {  	_ =	shalt  }
0x57: {  	_ =	shalt  }
0x58: {  	_ =	shalt  }
0x59: {  	_ =	shalt  }
0x5a: {  	_ =	shalt  }
0x5b: {  	_ =	shalt  }
0x5c: {  	_ =	shalt  }
0x5d: {  	_ =	shalt  }
0x5e: {  	_ =	shalt  }
0x5f: {  	_ =	shalt  }
0x60: {  	_ =	shalt  }
0x61: {  	_ =	shalt  }
0x62: {  	_ =	shalt  }
0x63: {  	_ =	shalt  }
0x64: {  	_ =	shalt  }
0x65: {  	_ =	shalt  }
0x66: {  	_ =	shalt  }
0x67: {  	_ =	shalt  }
0x68: {  	_ =	shalt  }
0x69: {  	_ =	shalt  }
0x6a: {  	_ =	shalt  }
0x6b: {  	_ =	shalt  }
0x6c: {  	_ =	shalt  }
0x6d: {  	_ =	shalt  }
0x6e: {  	_ =	shalt  }
0x6f: {  	_ =	shalt  }
0x70: {  	_ =	shalt  }
0x71: {  	_ =	shalt  }
0x72: {  	_ =	shalt  }
0x73: {  	_ =	shalt  }
0x74: {  	_ =	shalt  }
0x75: {  	_ =	shalt  }
0x76: {  	_ =	shalt  }
0x77: {  	_ =	shalt  }
0x78: {  	_ =	shalt  }
0x79: {  	_ =	shalt  }
0x7a: {  	_ =	shalt  }
0x7b: {  	_ =	shalt  }
0x7c: {  	_ =	shalt  }
0x7d: {  	_ =	shalt  }
0x7e: {  	_ =	shalt  }
0x7f: {  	_ =	shalt  }
0x80: {  	_ =	shalt  }
0x81: {  	_ =	shalt  }
0x82: {  	_ =	shalt  }
0x83: {  	_ =	shalt  }
0x84: {  	_ =	shalt  }
0x85: {  	_ =	shalt  }
0x86: {  	_ =	shalt  }
0x87: {  	_ =	shalt  }
.Lfunc_end0:
.L_simem_size_0:
called_computation_lowered:
.L_overlay_start_0:
0x88: {  	s2 =	sld [smem:$0x3FD9]  }
0x89: {  	s3 =	sld [smem:$0x3FFE];
	_ =	sdelay $0x1  }
0x8a: {  	s1 =	srdreg.scid  }
0x8b: {  	s0 =	sand.u32 $0x1, s1  }
0x8c: {  	s17 =	sshll.u32 s0, $0xA;
	s2 =	sadd.s32 s3, s2  }
0x8d: {  	s2 =	sadd.s32 s2, s17  }
0x8e: {  	[smem:$0x3FC3] =	sst s2  }
0x8f: {  	_ = 	snop  }
0x90: {  	s2 =	sld [smem:$0x3FC9]  }
0x91: {  	s18 =	sld [smem:$0x3FC8];
	(tm) =	ssettm $0x1  }
0x92: {  	s4 =	sld [smem:$0x3FFB];
	_ =	sdelay $0x3  }
0x93: {  	_ =	strace s4  }
0x94: {  	s4 =	sld [smem:$0x3FFC];
	_ =	sdelay $0x3  }
0x95: {  	_ =	strace s4  }
0x96: {  	s4 =	sld [smem:$0x3FFD];
	_ =	sdelay $0x3  }
0x97: {  	_ =	strace s4  }
0x98: {  	_ =	strace $0x8FFFFFFF  }
0x99: {  	s19 =	sld [smem:$0x3FDB];
	_ =	sdelay $0x1  }
0x9a: {  	s5 =	simm.s32 $_scs_section_size  }
0x9b: {  	s6 =	simm.s32 $_size__tile_overlayer_lowered;
	s7 =	simm.s32 $_tile_overlayer_lowered  }
0x9c: {  	s22 =	simm.s32 $0x1BFF;
	s21 =	sshll.u32 s7, $0x1;
	s4 =	sadd.s32 s5, s19  }
0x9d: {  	s8 =	simm.s32 $0x0;
	s20 =	sshll.u32 s6, $0x1;
	s6 =	sadd.s32 s21, s4  }
0x9e: {  	[timem:s8], [sflag:s22] =	dma.local [hbm:s6], s20  }
0x9f: {  	_ =	swait.ge [sflag:s22], s20  }
0xa0: {  	s5 =	ssub.s32 $0x0, s20;
	[sflag:s22] =	ssyncset.done $0x0  }
0xa1: {  	[sflag:s22] =	ssyncadd.s32 s5;
	_ =	sdelay $0x1  }
0xa2: {  	s23 =	simm.s32 $0x1B8B  }
0xa3: {  	_ =	swait.ge [sflag:s23], $0x1  }
0xa4: {  	[sflag:s23] =	ssyncset.done $0x0  }
0xa5: {  	s25 =	simm.s32 $0x1B8E;
	s24 =	sld [smem:$0x3FFE];
	[sflag:s23] =	ssyncadd.s32 $0xFFFFFFFF  }
0xa6: {  	s26 =	simm.s32 $execute0_lowered;
	[smem:$0x3FD2] =	sst s25  }
0xa7: {  	s6 =	sshll.u32 s26, $0x1;
	_ =	strace $0x80000046;
	[dreg:$0x1] =	wrdreg $0xFFFFFFFF  }
0xa8: {  	s28 =	simm.s32 $_size_execute0_lowered;
	s4 =	sadd.s32 s4, s6;
	[dreg:$0x0] =	wrdreg $0x0  }
0xa9: {  	s6 =	sshll.u32 s28, $0x1;
	[dreg:$0x2] =	wrdreg s4  }
0xaa: {  	[dreg:$0x3] =	wrdreg s6  }
0xab: {  	[dreg:$0x4] =	wrdreg $0xC0  }
0xac: {  	_ =	task [dreg:s8], $0x5FFFF  }
0xad: {  	[dreg:$0x1] =	wrdreg $0xFFFFFFFF  }
0xae: {  	[dreg:$0x0] =	wrdreg $0x60  }
0xaf: {  	[dreg:$0x2] =	wrdreg s2  }
0xb0: {  	[dreg:$0x3] =	wrdreg s18  }
0xb1: {  	[dreg:$0x4] =	wrdreg s24  }
0xb2: {  	[dreg:$0x5] =	wrdreg $0x9  }
0xb3: {  	_ =	task.clear_ibuf [dreg:s8], $0x6FFFF;
	_ =	strace $0x90000046  }
0xb4: {  	s29 =	simm.s32 $0x9;
	_ =	strace $0x80000048  }
0xb5: {  	_ =	swait.ge [sflag:s29], $0x1  }
0xb6: {  	[sflag:s29] =	ssyncadd.s32 $0xFFFFFFFF  }
0xb7: {  	_ =	strace $0x90000048  }
0xb8: {  	_ =	sfence  }
0xb9: {  	s30 =	sld [smem:$0x0];
	_ =	sdelay $0x2  }
0xba: {  	s31 =	sshll.u32 s1, $0xD;
	s1 =	sshrl.u32 s1, $0x2  }
0xbb: {  	s3 =	sand.u32 $0x4000, s31;
	s1 =	sadd.s32 s1, s30  }
0xbc: {  	s0 =	sor.u32 s3, s0;
	s1 =	sshll.u32 s1, $0x11  }
0xbd: {  	s0 =	sor.u32 s1, s0  }
0xbe: {  	s0 =	sadd.s32 $0x8F2B, s0  }
0xbf: {  	[sflag:s0] =	ssyncadd.remote.s32 $0x1  }
0xc0: {  	_ =	sfence.sel $0xFFFF  }
0xc1: {  	[dreg:$0x0] =	wrdreg $0xFFFFFFFF;
	(pc) =	sbr.abs _section_cstart, $3  }
0xc2: {  	[dreg:$0x1] =	wrdreg $0xFFFFFFFF  }
0xc3: {  	_ =	task.clear_ibuf [dreg:s8], $0x2FFFF;
	_ =	strace $0x9FFFFFFF  }
0xc4: {  	(tm) =	ssettm $0x7FFFFFFF  }
0xc5: {  	_ =	shalt  }
tec
execute0_lowered:
.L_overlay_start_1:
0x0: {  	(tag) =	ssettag $0x1  }
0x1: {  	s0 =	rddreg [dreg:$0x2];
	s1 =	simm.s32 $0x0;
	v0 =	vimm.s32 $0xFEDCBA98;
	v1 =	vimm.s32 $0x76543210;
	s25 =	srdreg.scid;
	v2 =	vimm.s32 $0xBA98FEDC  }
0x2: {  	v3 =	vimm.s32 $0x32107654;
	v4 =	vimm.s32 $0xDCFE98BA;
	s8 =	stileid.u32;
	v5 =	vimm.s32 $0x54761032;
	s15 =	simm.s32 $0x2;
	s16 =	simm.s32 $0x80  }
0x3: {  	v6 =	vimm.s32 $0xEFCDAB89;
	v7 =	vimm.s32 $0x67452301;
	s17 =	simm.s32 $0x100;
	s18 =	simm.s32 $0x180;
	s19 =	simm.s32 $0x200  }
0x4: {  	s20 =	simm.s32 $0x280;
	s21 =	simm.s32 $0x300;
	s23 =	simm.s32 $0x4380;
	vm0 =	vmmov $0x1;
	vm1 =	vcmask $0x318;
	vm2 =	vcmask $0x718  }
0x5: {  	s24 =	simm.s32 $0x8380;
	s28 =	simm.s32 $0x14380;
	s29 =	simm.s32 $0x18380;
	v0 =	vunpack.c.l.s4.s8 v0;
	v1 =	vunpack.c.l.s4.s8 v1;
	v2 =	vunpack.c.l.s4.s8 v2  }
0x6: {  	s30 =	simm.s32 $0x1;
	s31 =	simm.s32 $0x1C380;
	[smem:$0x7FF] =	sst s1;
	v3 =	vunpack.c.l.s4.s8 v3;
	v4 =	vunpack.c.l.s4.s8 v4;
	v5 =	vunpack.c.l.s4.s8 v5  }
0x7: {  	s4 =	sadd.s32 $0xF42C00, s0;
	s5 =	sadd.s32 $0x1E85000, s0;
	s6 =	sadd.s32 $0x800, s0;
	v6 =	vunpack.c.l.s4.s8 v6;
	v7 =	vunpack.c.l.s4.s8 v7;
	v0 =	vunpack.c.0.s8.s32 v0  }
0x8: {  	s7 =	sadd.s32 $0xF45400, s0;
	s1 =	sand.u32 $0x1, s25;
	s8 =	sshll.u32 s8, $0xA;
	v2 =	vunpack.c.0.s8.s32 v2;
	v3 =	vunpack.c.0.s8.s32 v3;
	v4 =	vunpack.c.0.s8.s32 v4  }
0x9: {  	s9 =	sadd.s32 $0xF43400, s0;
	s10 =	sadd.s32 $0xF43C00, s0;
	s2 =	ssub.s32 $0x2, s1;
	v5 =	vunpack.c.0.s8.s32 v5;
	v6 =	vunpack.c.0.s8.s32 v6;
	v7 =	vunpack.c.0.s8.s32 v7  }
0xa: {  	vm3 =	vcmask $0xB18;
	s12 =	sadd.s32 $0xF44400, s0;
	s13 =	sadd.s32 $0xF44C00, s0;
	s3 =	sshrl.u32 s2, $0x1;
	v1 =	vunpack.c.0.s8.s32 v1;
	v2 =	vcombine.low v3, v2  }
0xb: {  	s25 =	simm.s32 $0xC380;
	s1 =	sshll.u32 s1, $0x9;
	s2 =	ssub.s32 s2, s3;
	v3 =	vcombine.low v5, v4;
	v4 =	vcombine.low v7, v6;
	v0 =	vand.u32 $0xF, v0  }
0xc: {  	vm4 =	vcmask $0xF18;
	vm5 =	vcmask $0x1318;
	_ =	strace $0x80000047;
	s11 =	sor.u32 s1, s8;
	s26 =	smax.u32 s2, $0x1;
	v0 =	vcombine.low v0, v1  }
0xd: {  	s1 =	simm.s32 $0x0;
	[dreg:$0x4] =	wrdreg s26;
	s26 =	simm.s32 $0x10380;
	v1 =	vand.u32 $0xF, v2;
	v2 =	vand.u32 $0xF, v3;
	v3 =	vand.u32 $0xF, v4  }
.LBB2_1:
0xe: {  	[dreg:$0x5] =	wrdreg s1;
	s8 =	simm.s32 $0x0  }
.LBB2_2:
0xf: {  	s0 =	sshll.u32 s8, $0x7  }
0x10: {  	s14 =	sadd.s32 s11, s0  }
0x11: {  	s2 =	rddreg [dreg:$0x0];
	s1 =	sshrl.u32 s14, $0x3  }
0x12: {  	s0 =	simm.s32 $0x0;
	s2 =	sadd.s32 s2, s1  }
0x13: {  	[tilespmem:s0], [sflag:$0x2] =	stream.linear.gather [hbm4b:s2+s0], $0x80, $0x38;
	[tilespmem:$0x1CB80] =	vst v63  }
0x14: {  	_ =	swait.ge [sflag:s15], $0x80  }
0x15: {  	[sflag:s15] =	ssyncset.done $0x0  }
0x16: {  	[sflag:s15] =	ssyncadd.s32 $0xFFFFFF80  }
0x17: {  	s3 =	rddreg [dreg:$0x1]  }
0x18: {  	s2 =	sadd.s32 s3, s1  }
0x19: {  	[tilespmem:s16], [sflag:$0x2] =	stream.linear.gather [hbm4b:s2+s0], $0x80, $0x38;
	[tilespmem:$0x1CB80] =	vst v63  }
0x1a: {  	_ =	swait.ge [sflag:s15], $0x80  }
0x1b: {  	[sflag:s15] =	ssyncset.done $0x0  }
0x1c: {  	s22 =	sadd.s32 s4, s1;
	[sflag:s15] =	ssyncadd.s32 $0xFFFFFF80  }
0x1d: {  	[tilespmem:s17], [sflag:$0x2] =	stream.linear.gather [hbm4b:s22+s0], $0x80, $0x38;
	[tilespmem:$0x1CB80] =	vst v63  }
0x1e: {  	_ =	swait.ge [sflag:s15], $0x80  }
0x1f: {  	[sflag:s15] =	ssyncset.done $0x0  }
0x20: {  	s3 =	sadd.s32 s1, s9;
	[sflag:s15] =	ssyncadd.s32 $0xFFFFFF80  }
0x21: {  	[tilespmem:s18], [sflag:$0x2] =	stream.linear.gather [hbm4b:s3+s0], $0x80, $0x38;
	[tilespmem:$0x1CB80] =	vst v63  }
0x22: {  	_ =	swait.ge [sflag:s15], $0x80  }
0x23: {  	[sflag:s15] =	ssyncset.done $0x0  }
0x24: {  	s22 =	sadd.s32 s1, s10;
	[sflag:s15] =	ssyncadd.s32 $0xFFFFFF80  }
0x25: {  	[tilespmem:s19], [sflag:$0x2] =	stream.linear.gather [hbm4b:s22+s0], $0x80, $0x38;
	[tilespmem:$0x1CB80] =	vst v63  }
0x26: {  	_ =	swait.ge [sflag:s15], $0x80  }
0x27: {  	[sflag:s15] =	ssyncset.done $0x0  }
0x28: {  	s3 =	sadd.s32 s1, s12;
	[sflag:s15] =	ssyncadd.s32 $0xFFFFFF80  }
0x29: {  	[tilespmem:s20], [sflag:$0x2] =	stream.linear.gather [hbm4b:s3+s0], $0x80, $0x38;
	[tilespmem:$0x1CB80] =	vst v63  }
0x2a: {  	_ =	swait.ge [sflag:s15], $0x80  }
0x2b: {  	[sflag:s15] =	ssyncset.done $0x0  }
0x2c: {  	s1 =	sadd.s32 s1, s13;
	[sflag:s15] =	ssyncadd.s32 $0xFFFFFF80  }
0x2d: {  	[tilespmem:s21], [sflag:$0x2] =	stream.linear.gather [hbm4b:s1+s0], $0x80, $0x38;
	[tilespmem:$0x1CB80] =	vst v63  }
0x2e: {  	_ =	swait.ge [sflag:s15], $0x80  }
0x2f: {  	[sflag:s15] =	ssyncset.done $0x0  }
0x30: {  	s22 =	simm.s32 $0x380;
	[sflag:s15] =	ssyncadd.s32 $0xFFFFFF80  }
0x31: {  	[tilespmem:s22], [sflag:$0x1] =	stream.indirect.gather [hbm4b:s5+s16], $0x80, s0, s16, $0xb8;
	[tilespmem:$0x1CB80] =	vst v63  }
0x32: {  	_ = 	snop  }
0x33: {  	[tilespmem:s23], [sflag:$0x1] =	stream.indirect.gather [hbm4b:s6+s16], $0x80, s16, s16, $0xb8;
	[tilespmem:$0x1CB80] =	vst v63  }
0x34: {  	_ = 	snop  }
0x35: {  	[tilespmem:s24], [sflag:$0x1] =	stream.indirect.gather [hbm4b:s6+s16], $0x80, s17, s16, $0xb8;
	[tilespmem:$0x1CB80] =	vst v63  }
0x36: {  	_ = 	snop  }
0x37: {  	[tilespmem:s25], [sflag:$0x1] =	stream.indirect.gather [hbm4b:s6+s16], $0x80, s18, s16, $0xb8;
	[tilespmem:$0x1CB80] =	vst v63  }
0x38: {  	_ = 	snop  }
0x39: {  	[tilespmem:s26], [sflag:$0x1] =	stream.indirect.gather [hbm4b:s6+s16], $0x80, s19, s16, $0xb8;
	[tilespmem:$0x1CB80] =	vst v63  }
0x3a: {  	_ = 	snop  }
0x3b: {  	[tilespmem:s28], [sflag:$0x1] =	stream.indirect.gather [hbm4b:s6+s16], $0x80, s20, s16, $0xb8;
	[tilespmem:$0x1CB80] =	vst v63  }
0x3c: {  	_ = 	snop  }
0x3d: {  	[tilespmem:s29], [sflag:$0x1] =	stream.indirect.gather [hbm4b:s6+s16], $0x80, s21, s16, $0xb8;
	[tilespmem:$0x1CB80] =	vst v63  }
0x3e: {  	_ =	swait.ge [sflag:s30], $0x4000  }
0x3f: {  	[sflag:s30] =	ssyncset.done $0x0  }
0x40: {  	[sflag:s30] =	ssyncadd.s32 $0xFFFFC000  }
0x41: {  	_ =	swait.ge [sflag:s30], $0x4000  }
0x42: {  	[sflag:s30] =	ssyncset.done $0x0  }
0x43: {  	[sflag:s30] =	ssyncadd.s32 $0xFFFFC000  }
0x44: {  	_ =	swait.ge [sflag:s30], $0x4000  }
0x45: {  	[sflag:s30] =	ssyncset.done $0x0  }
0x46: {  	[sflag:s30] =	ssyncadd.s32 $0xFFFFC000  }
0x47: {  	_ =	swait.ge [sflag:s30], $0x4000  }
0x48: {  	[sflag:s30] =	ssyncset.done $0x0  }
0x49: {  	[sflag:s30] =	ssyncadd.s32 $0xFFFFC000  }
0x4a: {  	_ =	swait.ge [sflag:s30], $0x4000  }
0x4b: {  	[sflag:s30] =	ssyncset.done $0x0  }
0x4c: {  	[sflag:s30] =	ssyncadd.s32 $0xFFFFC000  }
0x4d: {  	_ =	swait.ge [sflag:s30], $0x4000  }
0x4e: {  	[sflag:s30] =	ssyncset.done $0x0  }
0x4f: {  	[sflag:s30] =	ssyncadd.s32 $0xFFFFC000  }
0x50: {  	_ =	swait.ge [sflag:s30], $0x4000  }
0x51: {  	[sflag:s30] =	ssyncset.done $0x0  }
0x52: {  	s2 =	simm.s32 $0x0;
	[sflag:s30] =	ssyncadd.s32 $0xFFFFC000  }
0x53: {  	v4 =	vld [tilespmem:s2+$0x183B0]  }
0x54: {  	v5 =	vld [tilespmem:s2+$0x103B0]  }
0x55: {  	v6 =	vld [tilespmem:s2+$0x143A0]  }
0x56: {  	v7 =	vld [tilespmem:s2+$0x18380]  }
0x57: {  	v8 =	vld [tilespmem:s2+$0x18390]  }
0x58: {  	v9 =	vld [tilespmem:s2+$0x14380]  }
0x59: {  	v10 =	vld [tilespmem:s2+$0x14390]  }
0x5a: {  	v11 =	vld [tilespmem:s2+$0x43B0]  }
0x5b: {  	v12 =	vld [tilespmem:s2+$0x83B0]  }
0x5c: {  	v13 =	vld [tilespmem:s2+$0x10380]  }
0x5d: {  	v14 =	vld [tilespmem:s2+$0x10390]  }
0x5e: {  	v15 =	vld [tilespmem:s2+$0x43A0]  }
0x5f: {  	v16 =	vld [tilespmem:s2+$0x3B0]  }
0x60: {  	v17 =	vld [tilespmem:s2+$0xC380]  }
0x61: {  	v18 =	vld [tilespmem:s2+$0x3A0]  }
0x62: {  	v19 =	vld [tilespmem:s2+$0x380]  }
0x63: {  	v20 =	vld [tilespmem:s2+$0x4380]  }
0x64: {  	v21 =	vld [tilespmem:s2+$0x8380];
	v4 =	vmul.f32 v4, v16  }
0x65: {  	v22 =	vld [tilespmem:s2+$0x390];
	v11 =	vmul.f32 v11, v16;
	v5 =	vmul.f32 v5, v16  }
0x66: {  	v23 =	vld [tilespmem:s2+$0x4390];
	v12 =	vmul.f32 v12, v16;
	v6 =	vmul.f32 v6, v18  }
0x67: {  	v24 =	vld [tilespmem:s2+$0x8390];
	v15 =	vmul.f32 v15, v18;
	v7 =	vmul.f32 v7, v19  }
0x68: {  	v25 =	vld [tilespmem:s2+$0xC390];
	v13 =	vmul.f32 v13, v19;
	v9 =	vmul.f32 v9, v19  }
0x69: {  	v26 =	vld [tilespmem:s2+$0x83A0];
	v20 =	vmul.f32 v20, v19;
	v17 =	vmul.f32 v17, v19  }
0x6a: {  	v19 =	vmul.f32 v21, v19;
	v21 =	vld [tilespmem:s2+$0xC3A0];
	v8 =	vmul.f32 v8, v22  }
0x6b: {  	v27 =	vld [tilespmem:s2+$0x103A0];
	v14 =	vmul.f32 v14, v22;
	v10 =	vmul.f32 v10, v22  }
0x6c: {  	v28 =	vld [tilespmem:s2+$0xC3B0];
	v23 =	vmul.f32 v23, v22;
	v24 =	vmul.f32 v24, v22  }
0x6d: {  	v22 =	vmul.f32 v25, v22;
	v9 =	vadd.f32 v10, v9;
	v7 =	vadd.f32 v8, v7;
	v8 =	vld [tilespmem:s2+$0x183A0]  }
0x6e: {  	v10 =	vadd.f32 v24, v19;
	v19 =	vmul.f32 v26, v18;
	v13 =	vadd.f32 v14, v13;
	v14 =	vld [tilespmem:s2+$0x143B0]  }
0x6f: {  	v20 =	vadd.f32 v23, v20;
	v17 =	vadd.f32 v22, v17;
	v21 =	vmul.f32 v21, v18  }
0x70: {  	v10 =	vadd.f32 v19, v10;
	v19 =	vmul.f32 v27, v18;
	v6 =	vadd.f32 v6, v9  }
0x71: {  	v9 =	vadd.f32 v15, v20;
	v15 =	vadd.f32 v21, v17;
	v17 =	vmul.f32 v28, v16  }
0x72: {  	v10 =	vadd.f32 v12, v10;
	v12 =	vadd.f32 v19, v13;
	v8 =	vmul.f32 v8, v18  }
0x73: {  	v9 =	vadd.f32 v11, v9;
	v13 =	vmul.f32 v14, v16;
	v11 =	vadd.f32 v17, v15  }
0x74: {  	v14 =	vperm.xlane v10, v0;
	v5 =	vadd.f32 v5, v12;
	v7 =	vadd.f32 v8, v7  }
0x75: {  	v8 =	vperm.xlane v9, v0;
	v6 =	vadd.f32 v13, v6;
	v12 =	vperm.xlane v11, v0  }
0x76: {  	v10 =	vadd.f32 v10, v14;
	v13 =	vperm.xlane v5, v0;
	v4 =	vadd.f32 v4, v7  }
0x77: {  	v7 =	vadd.f32 v9, v8;
	v9 =	vperm.xlane v6, v0;
	v8 =	vadd.f32 v11, v12  }
0x78: {  	v5 =	vadd.f32 v5, v13;
	v11 =	vperm.xlane v10, v1;
	v12 =	vperm.xlane v4, v0  }
0x79: {  	v13 =	vperm.xlane v7, v1;
	v6 =	vadd.f32 v6, v9;
	v14 =	vperm.xlane v8, v1  }
0x7a: {  	v9 =	vadd.f32 v10, v11;
	v10 =	vperm.xlane v5, v1;
	v4 =	vadd.f32 v4, v12  }
0x7b: {  	v7 =	vadd.f32 v7, v13;
	v11 =	vperm.xlane v6, v1;
	v8 =	vadd.f32 v8, v14  }
0x7c: {  	v12 =	vperm.xlane v9, v2;
	v5 =	vadd.f32 v5, v10;
	v10 =	vperm.xlane v4, v1  }
0x7d: {  	v13 =	vperm.xlane v7, v2;
	v6 =	vadd.f32 v6, v11;
	v14 =	vperm.xlane v8, v2  }
0x7e: {  	v9 =	vadd.f32 v9, v12;
	v11 =	vperm.xlane v5, v2;
	v4 =	vadd.f32 v4, v10  }
0x7f: {  	v7 =	vadd.f32 v7, v13;
	v10 =	vperm.xlane v6, v2;
	v8 =	vadd.f32 v8, v14  }
0x80: {  	v12 =	vperm.xlane v9, v3;
	v5 =	vadd.f32 v5, v11;
	v11 =	vperm.xlane v4, v2  }
0x81: {  	v13 =	vperm.xlane v7, v3;
	v6 =	vadd.f32 v6, v10;
	v14 =	vperm.xlane v8, v3  }
0x82: {  	v9 =	vadd.f32 v9, v12;
	v10 =	vperm.xlane v5, v3;
	v4 =	vadd.f32 v4, v11  }
0x83: {  	v7 =	vadd.f32 v7, v13;
	v11 =	vperm.xlane v6, v3;
	v8 =	vadd.f32 v8, v14  }
0x84: {  	v9 =	vsub.f32 $0.0e+00, v9;
	v5 =	vadd.f32 v5, v10;
	v10 =	vperm.xlane v4, v3  }
0x85: {  	v7 =	vnsel vm0, $0x4E6E6B28, v7;
	v6 =	vadd.f32 v6, v11;
	v8 =	vsub.f32 $0.0e+00, v8  }
0x86: {  	v7 =	vsel vm1, v7, v9;
	v5 =	vsub.f32 $0.0e+00, v5;
	v4 =	vadd.f32 v4, v10  }
0x87: {  	v6 =	vsub.f32 $0.0e+00, v6;
	v7 =	vsel vm2, v7, v8  }
0x88: {  	s3 =	sand.u32 $0x1E00, s0;
	v4 =	vsub.f32 $0.0e+00, v4;
	v5 =	vsel vm3, v7, v5  }
0x89: {  	s1 =	sshrl.u32 s3, $0x2;
	s22 =	sand.u32 $0x70, s0;
	v5 =	vsel vm4, v5, v6  }
0x8a: {  	s1 =	sor.u32 s22, s1;
	v4 =	vsel vm5, v5, v4  }
0x8b: {  	s3 =	simm.s32 $0x80;
	[tilespmem:s1+$0x1C380] =	vst v4  }
0x8c: {  	v4 =	vld [tilespmem:s3+$0x183B0]  }
0x8d: {  	v7 =	vld [tilespmem:s3+$0x103B0]  }
0x8e: {  	v12 =	vld [tilespmem:s3+$0x143A0]  }
0x8f: {  	v15 =	vld [tilespmem:s3+$0x18380]  }
0x90: {  	v11 =	vld [tilespmem:s3+$0x18390]  }
0x91: {  	v14 =	vld [tilespmem:s3+$0x14380]  }
0x92: {  	v10 =	vld [tilespmem:s3+$0x14390]  }
0x93: {  	v8 =	vld [tilespmem:s3+$0x43B0]  }
0x94: {  	v9 =	vld [tilespmem:s3+$0x83B0]  }
0x95: {  	v17 =	vld [tilespmem:s3+$0x10380]  }
0x96: {  	v13 =	vld [tilespmem:s3+$0x10390]  }
0x97: {  	v22 =	vld [tilespmem:s3+$0x43A0]  }
0x98: {  	v5 =	vld [tilespmem:s3+$0x3B0]  }
0x99: {  	v18 =	vld [tilespmem:s3+$0xC380]  }
0x9a: {  	v6 =	vld [tilespmem:s3+$0x3A0]  }
0x9b: {  	v19 =	vld [tilespmem:s3+$0x380]  }
0x9c: {  	v23 =	vld [tilespmem:s3+$0x4380]  }
0x9d: {  	v21 =	vld [tilespmem:s3+$0x8380];
	v4 =	vmul.f32 v4, v5  }
0x9e: {  	v16 =	vld [tilespmem:s3+$0x390];
	v8 =	vmul.f32 v8, v5;
	v7 =	vmul.f32 v7, v5  }
0x9f: {  	s2 =	simm.s32 $0x400;
	s1 =	simm.s32 $0x0;
	v20 =	vld [tilespmem:s3+$0x4390];
	v9 =	vmul.f32 v9, v5;
	v12 =	vmul.f32 v12, v6  }
.LBB2_3:
0xa0: {  	p0 =	sne.s32 s2, $0xFE00;
	v22 =	vmul.f32 v22, v6;
	v24 =	vld [tilespmem:s3+$0x8390];
	v15 =	vmul.f32 v15, v19  }
0xa1: {  	v17 =	vmul.f32 v17, v19;
	v14 =	vmul.f32 v14, v19;
	v25 =	vld [tilespmem:s3+$0xC390]  }
0xa2: {  	v18 =	vmul.f32 v18, v19;
	v23 =	vmul.f32 v23, v19;
	v26 =	vld [tilespmem:s3+$0x83A0]  }
0xa3: {  	v19 =	vmul.f32 v21, v19;
	v21 =	vld [tilespmem:s3+$0xC3A0];
	v11 =	vmul.f32 v11, v16  }
0xa4: {  	v13 =	vmul.f32 v13, v16;
	v10 =	vmul.f32 v10, v16;
	v27 =	vld [tilespmem:s3+$0x103A0]  }
0xa5: {  	v20 =	vmul.f32 v20, v16;
	v24 =	vmul.f32 v24, v16;
	v28 =	vld [tilespmem:s3+$0xC3B0]  }
0xa6: {  	v10 =	vadd.f32 v10, v14;
	v11 =	vadd.f32 v11, v15;
	v16 =	vmul.f32 v25, v16;
	v14 =	vld [tilespmem:s3+$0x183A0]  }
0xa7: {  	v13 =	vadd.f32 v13, v17;
	v15 =	vadd.f32 v24, v19;
	v19 =	vmul.f32 v26, v6;
	v17 =	vld [tilespmem:s3+$0x143B0]  }
0xa8: {  	v20 =	vadd.f32 v20, v23;
	v16 =	vadd.f32 v16, v18;
	v18 =	vmul.f32 v21, v6  }
0xa9: {  	v10 =	vadd.f32 v12, v10;
	v15 =	vadd.f32 v19, v15;
	v19 =	vmul.f32 v27, v6  }
0xaa: {  	v12 =	vadd.f32 v22, v20;
	v16 =	vadd.f32 v18, v16;
	v18 =	vmul.f32 v28, v5  }
0xab: {  	v9 =	vadd.f32 v9, v15;
	v13 =	vadd.f32 v19, v13;
	v6 =	vmul.f32 v14, v6  }
0xac: {  	v8 =	vadd.f32 v8, v12;
	v12 =	vadd.f32 v18, v16;
	v5 =	vmul.f32 v17, v5  }
0xad: {  	v14 =	vperm.xlane v9, v0;
	v7 =	vadd.f32 v7, v13;
	v6 =	vadd.f32 v6, v11  }
0xae: {  	v11 =	vperm.xlane v8, v0;
	v13 =	vperm.xlane v12, v0;
	v5 =	vadd.f32 v5, v10  }
0xaf: {  	v9 =	vadd.f32 v9, v14;
	v10 =	vperm.xlane v7, v0;
	v4 =	vadd.f32 v4, v6  }
0xb0: {  	v6 =	vadd.f32 v8, v11;
	v8 =	vadd.f32 v12, v13;
	v11 =	vperm.xlane v5, v0  }
0xb1: {  	v12 =	vperm.xlane v9, v1;
	v7 =	vadd.f32 v7, v10;
	v10 =	vperm.xlane v4, v0  }
0xb2: {  	v13 =	vperm.xlane v6, v1;
	v14 =	vperm.xlane v8, v1;
	v5 =	vadd.f32 v5, v11  }
0xb3: {  	v9 =	vadd.f32 v9, v12;
	v11 =	vperm.xlane v7, v1;
	v4 =	vadd.f32 v4, v10  }
0xb4: {  	v6 =	vadd.f32 v6, v13;
	v8 =	vadd.f32 v8, v14;
	v10 =	vperm.xlane v5, v1  }
0xb5: {  	v12 =	vperm.xlane v9, v2;
	v7 =	vadd.f32 v7, v11;
	v11 =	vperm.xlane v4, v1  }
0xb6: {  	v13 =	vperm.xlane v6, v2;
	v14 =	vperm.xlane v8, v2;
	v5 =	vadd.f32 v5, v10  }
0xb7: {  	v9 =	vadd.f32 v9, v12;
	v10 =	vperm.xlane v7, v2;
	v4 =	vadd.f32 v4, v11  }
0xb8: {  	v6 =	vadd.f32 v6, v13;
	v8 =	vadd.f32 v8, v14;
	v11 =	vperm.xlane v5, v2  }
0xb9: {  	v12 =	vperm.xlane v9, v3;
	v7 =	vadd.f32 v7, v10;
	v10 =	vperm.xlane v4, v2  }
0xba: {  	v13 =	vperm.xlane v6, v3;
	v14 =	vperm.xlane v8, v3;
	v5 =	vadd.f32 v5, v11  }
0xbb: {  	v9 =	vadd.f32 v9, v12;
	v11 =	vperm.xlane v7, v3;
	v4 =	vadd.f32 v4, v10  }
0xbc: {  	v6 =	vadd.f32 v6, v13;
	v8 =	vadd.f32 v8, v14;
	v10 =	vperm.xlane v5, v3  }
0xbd: {  	v9 =	vsub.f32 $0.0e+00, v9;
	v7 =	vadd.f32 v7, v11;
	v11 =	vperm.xlane v4, v3  }
0xbe: {  	v6 =	vnsel vm0, $0x4E6E6B28, v6;
	v8 =	vsub.f32 $0.0e+00, v8;
	v5 =	vadd.f32 v5, v10  }
0xbf: {  	v6 =	vsel vm1, v6, v9;
	v7 =	vsub.f32 $0.0e+00, v7;
	v4 =	vadd.f32 v4, v11  }
0xc0: {  	s0 =	sadd.s32 $0x40, s0;
	v6 =	vsel vm2, v6, v8;
	v5 =	vsub.f32 $0.0e+00, v5  }
0xc1: {  	s1 =	sadd.s32 $0x10, s1;
	s3 =	sand.u32 $0x1E00, s0;
	v6 =	vsel vm3, v6, v7;
	v4 =	vsub.f32 $0.0e+00, v4  }
0xc2: {  	s22 =	sand.u32 $0x70, s1;
	s3 =	sshrl.u32 s3, $0x2;
	v5 =	vsel vm4, v6, v5  }
0xc3: {  	s22 =	sor.u32 s22, s3;
	v4 =	vsel vm5, v5, v4  }
0xc4: {  	s3 =	sshra.s32 s2, $0x2;
	[tilespmem:s22+$0x1C380] =	vst v4  }
0xc5: {  	v4 =	vld [tilespmem:s3+$0x183B0]  }
0xc6: {  	v7 =	vld [tilespmem:s3+$0x103B0]  }
0xc7: {  	v12 =	vld [tilespmem:s3+$0x143A0]  }
0xc8: {  	v15 =	vld [tilespmem:s3+$0x18380]  }
0xc9: {  	v11 =	vld [tilespmem:s3+$0x18390]  }
0xca: {  	v14 =	vld [tilespmem:s3+$0x14380]  }
0xcb: {  	v10 =	vld [tilespmem:s3+$0x14390]  }
0xcc: {  	v8 =	vld [tilespmem:s3+$0x43B0]  }
0xcd: {  	v9 =	vld [tilespmem:s3+$0x83B0]  }
0xce: {  	v17 =	vld [tilespmem:s3+$0x10380]  }
0xcf: {  	v13 =	vld [tilespmem:s3+$0x10390]  }
0xd0: {  	v22 =	vld [tilespmem:s3+$0x43A0]  }
0xd1: {  	v5 =	vld [tilespmem:s3+$0x3B0]  }
0xd2: {  	v18 =	vld [tilespmem:s3+$0xC380]  }
0xd3: {  	v6 =	vld [tilespmem:s3+$0x3A0]  }
.Ltmp0:
0xd4: {  	v19 =	vld [tilespmem:s3+$0x380];
	(pc) =	sbr.rel @p0 .LBB2_3-.Ltmp0, $4  }
0xd5: {  	v23 =	vld [tilespmem:s3+$0x4380]  }
0xd6: {  	v21 =	vld [tilespmem:s3+$0x8380];
	v4 =	vmul.f32 v4, v5  }
0xd7: {  	v8 =	vmul.f32 v8, v5;
	v7 =	vmul.f32 v7, v5;
	v16 =	vld [tilespmem:s3+$0x390]  }
0xd8: {  	s2 =	sadd.s32 $0x200, s2;
	v9 =	vmul.f32 v9, v5;
	v20 =	vld [tilespmem:s3+$0x4390];
	v12 =	vmul.f32 v12, v6  }
0xd9: {  	v22 =	vmul.f32 v22, v6;
	v24 =	vld [tilespmem:s3+$0x8390];
	v15 =	vmul.f32 v15, v19  }
0xda: {  	v25 =	vld [tilespmem:s3+$0xC390];
	v17 =	vmul.f32 v17, v19;
	v14 =	vmul.f32 v14, v19  }
0xdb: {  	v26 =	vld [tilespmem:s3+$0x83A0];
	v18 =	vmul.f32 v18, v19;
	v23 =	vmul.f32 v23, v19  }
0xdc: {  	v32 =	vld [tilespmem:s3+$0xC3A0];
	v63 =	vmul.f32 v21, v19;
	v11 =	vmul.f32 v11, v16  }
0xdd: {  	v27 =	vld [tilespmem:s3+$0x103A0];
	v13 =	vmul.f32 v13, v16;
	v10 =	vmul.f32 v10, v16  }
0xde: {  	v28 =	vld [tilespmem:s3+$0xC3B0];
	v20 =	vmul.f32 v20, v16;
	v24 =	vmul.f32 v24, v16  }
0xdf: {  	v34 =	vld [tilespmem:s3+$0x183A0];
	v33 =	vmul.f32 v25, v16;
	v10 =	vadd.f32 v10, v14;
	v11 =	vadd.f32 v11, v15  }
0xe0: {  	v37 =	vld [tilespmem:s3+$0x143B0];
	v36 =	vmul.f32 v26, v6;
	v13 =	vadd.f32 v13, v17;
	v35 =	vadd.f32 v24, v63  }
0xe1: {  	v38 =	vmul.f32 v32, v6;
	v20 =	vadd.f32 v20, v23;
	v16 =	vadd.f32 v33, v18  }
0xe2: {  	v39 =	vmul.f32 v27, v6;
	v10 =	vadd.f32 v12, v10;
	v15 =	vadd.f32 v36, v35  }
0xe3: {  	v41 =	vmul.f32 v28, v5;
	v40 =	vadd.f32 v22, v20;
	v16 =	vadd.f32 v38, v16  }
0xe4: {  	v42 =	vmul.f32 v34, v6;
	v13 =	vadd.f32 v39, v13;
	v9 =	vadd.f32 v9, v15  }
0xe5: {  	v5 =	vmul.f32 v37, v5;
	v8 =	vadd.f32 v8, v40;
	v43 =	vadd.f32 v41, v16  }
0xe6: {  	v6 =	vadd.f32 v42, v11;
	v7 =	vadd.f32 v7, v13;
	v44 =	vperm.xlane v9, v0  }
0xe7: {  	v5 =	vadd.f32 v5, v10;
	v45 =	vperm.xlane v8, v0;
	v46 =	vperm.xlane v43, v0  }
0xe8: {  	v4 =	vadd.f32 v4, v6;
	v47 =	vperm.xlane v7, v0;
	v9 =	vadd.f32 v9, v44  }
0xe9: {  	v50 =	vperm.xlane v5, v0;
	v48 =	vadd.f32 v8, v45;
	v49 =	vadd.f32 v43, v46  }
0xea: {  	v52 =	vperm.xlane v4, v0;
	v7 =	vadd.f32 v7, v47;
	v51 =	vperm.xlane v9, v1  }
0xeb: {  	v5 =	vadd.f32 v5, v50;
	v53 =	vperm.xlane v48, v1;
	v54 =	vperm.xlane v49, v1  }
0xec: {  	v4 =	vadd.f32 v4, v52;
	v55 =	vperm.xlane v7, v1;
	v9 =	vadd.f32 v9, v51  }
0xed: {  	v56 =	vperm.xlane v5, v1;
	v6 =	vadd.f32 v48, v53;
	v8 =	vadd.f32 v49, v54  }
0xee: {  	v57 =	vperm.xlane v4, v1;
	v7 =	vadd.f32 v7, v55;
	v12 =	vperm.xlane v9, v2  }
0xef: {  	v5 =	vadd.f32 v5, v56;
	v13 =	vperm.xlane v6, v2;
	v14 =	vperm.xlane v8, v2  }
0xf0: {  	v4 =	vadd.f32 v4, v57;
	v58 =	vperm.xlane v7, v2;
	v9 =	vadd.f32 v9, v12  }
0xf1: {  	v59 =	vperm.xlane v5, v2;
	v6 =	vadd.f32 v6, v13;
	v8 =	vadd.f32 v8, v14  }
0xf2: {  	v60 =	vperm.xlane v4, v2;
	v7 =	vadd.f32 v7, v58;
	v12 =	vperm.xlane v9, v3  }
0xf3: {  	v5 =	vadd.f32 v5, v59;
	v13 =	vperm.xlane v6, v3;
	v14 =	vperm.xlane v8, v3  }
0xf4: {  	v4 =	vadd.f32 v4, v60;
	v61 =	vperm.xlane v7, v3;
	v9 =	vadd.f32 v9, v12  }
0xf5: {  	v62 =	vperm.xlane v5, v3;
	v6 =	vadd.f32 v6, v13;
	v8 =	vadd.f32 v8, v14  }
0xf6: {  	v63 =	vperm.xlane v4, v3;
	v7 =	vadd.f32 v7, v61;
	v9 =	vsub.f32 $0.0e+00, v9  }
0xf7: {  	v5 =	vadd.f32 v5, v62;
	v6 =	vnsel vm0, $0x4E6E6B28, v6;
	v8 =	vsub.f32 $0.0e+00, v8  }
0xf8: {  	v4 =	vadd.f32 v4, v63;
	v7 =	vsub.f32 $0.0e+00, v7;
	v6 =	vsel vm1, v6, v9  }
0xf9: {  	s0 =	sadd.s32 $0x40, s0;
	v5 =	vsub.f32 $0.0e+00, v5;
	v6 =	vsel vm2, v6, v8  }
0xfa: {  	s1 =	sadd.s32 $0x10, s1;
	s0 =	sand.u32 $0x1E00, s0;
	v4 =	vsub.f32 $0.0e+00, v4;
	v6 =	vsel vm3, v6, v7  }
0xfb: {  	s8 =	sadd.s32 $0x1, s8;
	s1 =	sand.u32 $0x70, s1;
	s0 =	sshrl.u32 s0, $0x2;
	v5 =	vsel vm4, v6, v5  }
0xfc: {  	s3 =	sshll.u32 s14, $0x1;
	p0 =	sne.s32 s8, $0x4;
	s0 =	sor.u32 s1, s0;
	v4 =	vsel vm5, v5, v4  }
.Ltmp1:
0xfd: {  	s22 =	simm.s32 $0x0;
	s14 =	sadd.s32 s7, s3;
	[tilespmem:s0+$0x1C380] =	vst v4;
	(pc) =	sbr.rel @p0 .LBB2_2-.Ltmp1, $4  }
0xfe: {  	[hbm4b:s14+s22] =	stream.linear.scatter [tilespmem:s31], [sflag:$0x2], $0x800, $0x38;
	[tilespmem:$0x1CB80] =	vst v63  }
0xff: {  	_ =	swait.ge [sflag:s15], $0x800  }
0x100: {  	[sflag:s15] =	ssyncset.done $0x0  }
0x101: {  	[sflag:s15] =	ssyncadd.s32 $0xFFFFF800  }
0x102: {  	s1 =	rddreg [dreg:$0x5]  }
0x103: {  	s0 =	rddreg [dreg:$0x4];
	s1 =	sadd.s32 $0x1, s1  }
0x104: {  	p0 =	sne.s32 s1, s0  }
.Ltmp2:
0x105: {  	_ = 	snop;
	(pc) =	sbr.rel @p0 .LBB2_1-.Ltmp2, $1  }
0x106: {  	_ =	sdelay $0x3  }
0x107: {  	_ =	sfence.sel $0x180000  }
0x108: {  	[bflag:$0x0] =	sbarrier.arrive $0xFFFF  }
0x109: {  	_ =	strace $0x90000047  }
0x10a: {  	s0 =	stileid.u32;
	[bflag:$0x2] =	sbarrier.arrive $0xFFFF  }
0x10b: {  	p0 =	sne.s32 s0, $0x0;
	s0 =	rddreg [dreg:$0x3]  }
0x10c: {  	s0 =	sadd.s32 @!p0 $0x100000, s0  }
0x10d: {  	[sflag:s0] =	ssyncadd.tile.s32 @!p0 $0x1;
	_ =	shalt  }
.Lfunc_end2:
_tile_overlayer_lowered:
.L_overlay_start_2:
0x10e: {  	(tag) =	ssettag $0x2  }
0x10f: {  	s0 =	rddreg [dreg:$0x0];
	s2 =	stileid.u32  }
0x110: {  	s1 =	rddreg [dreg:$0x1];
	p0 =	sne.s32 s2, $0x0  }
0x111: {  	s3 =	rddreg [dreg:$0x2];
	[bflag:$0x3] =	sbarrier.arrive $0xFFFF;
	s2 =	simm.s32 @!p0 $0x1C02  }
0x112: {  	[timem:s3], [sflag:s2] =	dma.local @!p0 [hbm:s0], s1  }
0x113: {  	s0 =	simm.s32 @!p0 $0x2  }
0x114: {  	_ =	swait.ge @!p0 [sflag:s0], s1  }
0x115: {  	s1 =	ssub.s32 @!p0 $0x0, s1;
	[sflag:s0] =	ssyncset.done @!p0 $0x0  }
0x116: {  	[sflag:s0] =	ssyncadd.s32 @!p0 s1  }
0x117: {  	[bflag:$0x3] =	sbarrier.arrive $0xFFFF  }
0x118: {  	_ =	shalt  }

</sc_bundles>
